<compile_context>
chip_gen: v7x
topology: tpu7x:2x2x1
jax: 0.10.2.dev20260603
libtpu: 0.0.44.dev20260713+nightly
codegen_flags: <defaults>
</compile_context>

<pallas_src>
import functools

import jax
import jax.numpy as jnp
from jax import lax
from jax.experimental import pallas as pl
from jax.experimental.pallas import tpu as pltpu
from jax.experimental.pallas import tpu_sc as plsc

B = 16
N = 512
E = 128
H = 128


_NUM_WORKERS = 32
_ROWS_TOTAL = B * N
_ROWS_PER_W = _ROWS_TOTAL // _NUM_WORKERS
_NODES_PER_W = N // _NUM_WORKERS
_IDX_CHUNK = 128
_N_CHUNKS = _ROWS_PER_W // _IDX_CHUNK


def _sc_gather(table, idx):
    mesh = plsc.VectorSubcoreMesh(core_axis_name="c", subcore_axis_name="s")

    @functools.partial(
        pl.kernel,
        mesh=mesh,
        out_type=jax.ShapeDtypeStruct((_ROWS_TOTAL, E), jnp.float32),
    scratch_types=[
            pltpu.VMEM((_ROWS_PER_W,), jnp.int32),
            pltpu.VMEM((_ROWS_PER_W, E), jnp.float32),
            pltpu.SemaphoreType.DMA,
        ],
    )
    def gather_kernel(table_hbm, idx_hbm, out_hbm, idx_v, rows_v, sem):
        wid = lax.axis_index("s") * 2 + lax.axis_index("c")
        pltpu.sync_copy(idx_hbm.at[pl.ds(wid * _ROWS_PER_W, _ROWS_PER_W)], idx_v)
        copies = [
            pltpu.async_copy(
                table_hbm.at[idx_v.at[pl.ds(j * _IDX_CHUNK, _IDX_CHUNK)]],
                rows_v.at[pl.ds(j * _IDX_CHUNK, _IDX_CHUNK)],
                sem,
            )
            for j in range(_N_CHUNKS)
        ]
        for c in copies:
            c.wait()
        pltpu.sync_copy(rows_v, out_hbm.at[pl.ds(wid * _ROWS_PER_W, _ROWS_PER_W)])

    return gather_kernel(table, idx)



def _sigmoid(x):
    return 0.5 * jnp.tanh(0.5 * x) + 0.5


def _tree_lstm_body(emb_ref, wi_ref, wf_ref, bi_ref, bf_ref, out_ref, h_ref, c_ref):
    wi_top = wi_ref[0:E, :].astype(jnp.bfloat16)
    wi_bot = wi_ref[E : E + H, :].astype(jnp.bfloat16)
    wf_top = wf_ref[0:E, :].astype(jnp.bfloat16)
    wf_bot = wf_ref[E : E + H, :].astype(jnp.bfloat16)
    bi = bi_ref[0:1, :]
    bf = bf_ref[0:1, :]

    def gates(iou, fpre, c_sum):
        i = _sigmoid(iou[:, 0:H])
        o = _sigmoid(iou[:, H : 2 * H])
        u = jnp.tanh(iou[:, 2 * H : 3 * H])
        f = _sigmoid(fpre)
        c = i * u + f * c_sum
        h = o * jnp.tanh(c)
        return h, c

    def dots(emb_s, h_sum):
        eb = emb_s.astype(jnp.bfloat16)
        hb = h_sum.astype(jnp.bfloat16)
        iou = (
            jnp.dot(eb, wi_top, preferred_element_type=jnp.float32)
            + jnp.dot(hb, wi_bot, preferred_element_type=jnp.float32)
            + bi
        )
        fpre = (
            jnp.dot(eb, wf_top, preferred_element_type=jnp.float32)
            + jnp.dot(hb, wf_bot, preferred_element_type=jnp.float32)
            + bf
        )
        return iou, fpre

    nl = N // 2
    emb_l = emb_ref[nl:N].reshape(nl * B, E).astype(jnp.bfloat16)
    iou = jnp.dot(emb_l, wi_top, preferred_element_type=jnp.float32) + bi
    i = _sigmoid(iou[:, 0:H])
    o = _sigmoid(iou[:, H : 2 * H])
    u = jnp.tanh(iou[:, 2 * H : 3 * H])
    c = i * u
    h = o * jnp.tanh(c)
    h_ref[nl:N] = h.reshape(nl, B, H)
    c_ref[nl:N] = c.reshape(nl, B, H)

    s = N // 2 - 1
    iou, fpre = dots(emb_ref[s], h_ref[N - 1])
    h, c = gates(iou, fpre, c_ref[N - 1])
    h_ref[s] = h
    c_ref[s] = c

    for d in range(6, -1, -1):
        s = (1 << (d + 1)) - 1
        l = 1 << (d + 1)
        ch_h = h_ref[2 * s + 1 : 2 * s + 1 + 2 * l].reshape(l, 2 * B, H)
        ch_c = c_ref[2 * s + 1 : 2 * s + 1 + 2 * l].reshape(l, 2 * B, H)
        h_sum = (ch_h[:, 0:B, :] + ch_h[:, B : 2 * B, :]).reshape(l * B, H)
        c_sum = (ch_c[:, 0:B, :] + ch_c[:, B : 2 * B, :]).reshape(l * B, H)
        iou, fpre = dots(emb_ref[s : s + l].reshape(l * B, E), h_sum)
        h, c = gates(iou, fpre, c_sum)
        h_ref[s : s + l] = h.reshape(l, B, H)
        c_ref[s : s + l] = c.reshape(l, B, H)

    iou, fpre = dots(emb_ref[0], h_ref[1] + h_ref[2])
    h, _ = gates(iou, fpre, c_ref[1] + c_ref[2])
    out_ref[...] = h


def _tc_tree_lstm(emb, W_iou, W_f, b_iou, b_f):
    return pl.pallas_call(
        _tree_lstm_body,
        out_shape=jax.ShapeDtypeStruct((B, H), jnp.float32),
        scratch_shapes=[
            pltpu.VMEM((N, B, H), jnp.float32),
            pltpu.VMEM((N, B, H), jnp.float32),
        ],
    )(emb, W_iou, W_f, b_iou[None, :], b_f[None, :])


def kernel(ast_nodes, Emb, W_iou, b_iou, W_f, b_f):
    idx = ast_nodes.T.reshape(-1).astype(jnp.int32)
    emb = _sc_gather(Emb, idx).reshape(N, B, E)
    return _tc_tree_lstm(emb, W_iou, W_f, b_iou, b_f)

# --- scband reference (transcript-rebuilt; emitter-appended) ---
"""Pipeline reference for scband-astencoder-34093450396344 (READ-ONLY COPY).

The authoritative reference and input builder live on the scoring server;
editing this copy changes nothing except your own understanding.
"""

import jax, jax.numpy as jnp
import numpy as np

B = 16
N = 512
V = 10000
E = 128
H = 128


def setup_inputs(seed: int = 0) -> dict:
    key = jax.random.key(seed)
    k1, k2, k3, k4 = jax.random.split(key, 4)
    ast_nodes = jax.random.randint(k1, (B, N), 0, V, dtype=jnp.int64) if jax.config.jax_enable_x64 else jax.random.randint(k1, (B, N), 0, V, dtype=jnp.int32)
    Emb = jax.random.normal(k2, (V, E), dtype=jnp.float32) * 0.02
    s = 1.0 / np.sqrt(E + H)
    W_iou = jax.random.normal(k3, (E + H, 3 * H), dtype=jnp.float32) * s
    b_iou = jnp.zeros((3 * H,), dtype=jnp.float32)
    W_f = jax.random.normal(k4, (E + H, H), dtype=jnp.float32) * s
    b_f = jnp.zeros((H,), dtype=jnp.float32)
    return {"ast_nodes": ast_nodes, "Emb": Emb, "W_iou": W_iou, "b_iou": b_iou, "W_f": W_f, "b_f": b_f}


def reference(ast_nodes, Emb, W_iou, b_iou, W_f, b_f):
    Bsz, n = ast_nodes.shape
    Hd = W_f.shape[1]
    # embedding lookup (gather)
    emb = jnp.take(Emb, ast_nodes, axis=0)  # [B, n, E]
    # deterministic complete binary tree structure: children of i are 2i+1, 2i+2
    idxs = np.arange(n)
    ch_np = np.stack([2 * idxs + 1, 2 * idxs + 2], axis=1)
    mask_np = (ch_np < n).astype(np.float32)
    ch = jnp.asarray(np.where(ch_np < n, ch_np, 0))
    mask = jnp.asarray(mask_np)

    def step(carry, node_idx):
        h, c = carry
        cidx = ch[node_idx]          # [2]
        m = mask[node_idx]           # [2]
        ch_h = jnp.take(h, cidx, axis=1) * m[None, :, None]  # [B,2,H]
        ch_c = jnp.take(c, cidx, axis=1) * m[None, :, None]
        h_sum = ch_h.sum(axis=1)
        c_sum = ch_c.sum(axis=1)
        combined = jnp.concatenate([emb[:, node_idx, :], h_sum], axis=1)
        iou = combined @ W_iou + b_iou
        i, o, u = jnp.split(iou, 3, axis=1)
        i = jax.nn.sigmoid(i)
        o = jax.nn.sigmoid(o)
        u = jnp.tanh(u)
        f = jax.nn.sigmoid(combined @ W_f + b_f)
        c_node = i * u + f * c_sum
        h_node = o * jnp.tanh(c_node)
        h = h.at[:, node_idx, :].set(h_node)
        c = c.at[:, node_idx, :].set(c_node)
        return (h, c), None

    h0 = jnp.zeros((Bsz, n, Hd), dtype=jnp.float32)
    c0 = jnp.zeros((Bsz, n, Hd), dtype=jnp.float32)
    (h, c), _ = jax.lax.scan(step, (h0, c0), jnp.arange(n - 1, -1, -1))
    return h[:, 0, :]

if __name__ == "__main__":
    import jax
    _d = setup_inputs()
    print(jax.jit(kernel)(*tuple(_d.values())))

</pallas_src>

<mosaic_0001>
#map = affine_map<(d0, d1) -> (0, 0)>
#map1 = affine_map<(d0, d1) -> (0)>
module attributes {stable_mosaic.version = 14 : i64} {
  func.func @gather_kernel(%arg0: i32, %arg1: i32, %arg2: memref<10000x128xf32, #tpu.memory_space<hbm>>, %arg3: memref<8192xi32, #tpu.memory_space<hbm>>, %arg4: memref<8192x128xf32, #tpu.memory_space<hbm>>, %arg5: memref<256xi32, #tpu.memory_space<vmem>>, %arg6: memref<256x128xf32, #tpu.memory_space<vmem>>, %arg7: memref<!tpu.dma_semaphore, #tpu.memory_space<semaphore_mem>>) attributes {dimension_semantics = [#tpu.dimension_semantics<core_parallel>, #tpu.dimension_semantics<subcore_parallel>], iteration_bounds = array<i64: 2, 16>, scalar_prefetch = 0 : i64, scratch_operands = 3 : i64, tpu.core_type = #tpu.core_type<sc_vector_subcore>, window_params = [{transform_indices = #map}, {transform_indices = #map1}, {transform_indices = #map}]} {
    %mul3A = arith.constant 2 : i32
    %mul3A_0 = arith.muli %arg1, %mul3A : i32
    %add3A = arith.addi %mul3A_0, %arg0 : i32
    %mul3A_1 = arith.constant 256 : i32
    %mul3A_2 = arith.muli %add3A, %mul3A_1 : i32
    "tpu.region"() ({
      %run_scoped3A = tpu.sem_alloc : memref<!tpu.dma_semaphore, #tpu.memory_space<semaphore_mem>>
      %dma_start3A_35 = tpu.memref_slice %arg3[%mul3A_2] : memref<8192xi32, #tpu.memory_space<hbm>> -> memref<256xi32, #tpu.memory_space<hbm>>
      %dma_start3A_36 = tpu.memref_slice %arg3[%mul3A_2] : memref<8192xi32, #tpu.memory_space<hbm>> -> memref<256xi32, #tpu.memory_space<hbm>>
      tpu.enqueue_dma source(%dma_start3A_36 : memref<256xi32, #tpu.memory_space<hbm>>) target(%arg5 : memref<256xi32, #tpu.memory_space<vmem>>) target_semaphore(%run_scoped3A : memref<!tpu.dma_semaphore, #tpu.memory_space<semaphore_mem>>)
      %dma_wait3A_37 = tpu.memref_slice %arg3[%mul3A_2] : memref<8192xi32, #tpu.memory_space<hbm>> -> memref<256xi32, #tpu.memory_space<hbm>>
      %dma_wait3A_38 = tpu.memref_slice %arg3[%mul3A_2] : memref<8192xi32, #tpu.memory_space<hbm>> -> memref<256xi32, #tpu.memory_space<hbm>>
      tpu.wait_dma2 semaphore(%run_scoped3A : memref<!tpu.dma_semaphore, #tpu.memory_space<semaphore_mem>>) src(%dma_wait3A_38 : memref<256xi32, #tpu.memory_space<hbm>>) dst(%arg5 : memref<256xi32, #tpu.memory_space<vmem>>)
      tpu.yield
    }) : () -> ()
    %dma_start3A = arith.constant 0 : i32
    %dma_start3A_3 = arith.constant 0 : i32
    %dma_start3A_4 = tpu.memref_slice %arg6[%dma_start3A, %dma_start3A_3] : memref<256x128xf32, #tpu.memory_space<vmem>> -> memref<128x128xf32, #tpu.memory_space<vmem>>
    %dma_start3A_5 = arith.constant 0 : i32
    %dma_start3A_6 = tpu.memref_slice %arg5[%dma_start3A_5] : memref<256xi32, #tpu.memory_space<vmem>> -> memref<128xi32, #tpu.memory_space<vmem>>
    %dma_start3A_7 = arith.constant 0 : i32
    %dma_start3A_8 = arith.constant 0 : i32
    %dma_start3A_9 = tpu.memref_slice %arg2[%dma_start3A_7, %dma_start3A_8] : memref<10000x128xf32, #tpu.memory_space<hbm>> -> memref<10000x128xf32, #tpu.memory_space<hbm>>
    tpu.enqueue_indirect_dma source(%dma_start3A_9 : memref<10000x128xf32, #tpu.memory_space<hbm>>) target(%dma_start3A_4 : memref<128x128xf32, #tpu.memory_space<vmem>>) offsets(%dma_start3A_6 : memref<128xi32, #tpu.memory_space<vmem>>) semaphore(%arg7 : memref<!tpu.dma_semaphore, #tpu.memory_space<semaphore_mem>>)
    %dma_start3A_10 = arith.constant 128 : i32
    %dma_start3A_11 = arith.constant 0 : i32
    %dma_start3A_12 = tpu.memref_slice %arg6[%dma_start3A_10, %dma_start3A_11] : memref<256x128xf32, #tpu.memory_space<vmem>> -> memref<128x128xf32, #tpu.memory_space<vmem>>
    %dma_start3A_13 = arith.constant 128 : i32
    %dma_start3A_14 = tpu.memref_slice %arg5[%dma_start3A_13] : memref<256xi32, #tpu.memory_space<vmem>> -> memref<128xi32, #tpu.memory_space<vmem>>
    %dma_start3A_15 = arith.constant 0 : i32
    %dma_start3A_16 = arith.constant 0 : i32
    %dma_start3A_17 = tpu.memref_slice %arg2[%dma_start3A_15, %dma_start3A_16] : memref<10000x128xf32, #tpu.memory_space<hbm>> -> memref<10000x128xf32, #tpu.memory_space<hbm>>
    tpu.enqueue_indirect_dma source(%dma_start3A_17 : memref<10000x128xf32, #tpu.memory_space<hbm>>) target(%dma_start3A_12 : memref<128x128xf32, #tpu.memory_space<vmem>>) offsets(%dma_start3A_14 : memref<128xi32, #tpu.memory_space<vmem>>) semaphore(%arg7 : memref<!tpu.dma_semaphore, #tpu.memory_space<semaphore_mem>>)
    %dma_wait3A = arith.constant 0 : i32
    %dma_wait3A_18 = arith.constant 0 : i32
    %dma_wait3A_19 = tpu.memref_slice %arg6[%dma_wait3A, %dma_wait3A_18] : memref<256x128xf32, #tpu.memory_space<vmem>> -> memref<128x128xf32, #tpu.memory_space<vmem>>
    %dma_wait3A_20 = arith.constant 0 : i32
    %dma_wait3A_21 = tpu.memref_slice %arg5[%dma_wait3A_20] : memref<256xi32, #tpu.memory_space<vmem>> -> memref<128xi32, #tpu.memory_space<vmem>>
    %dma_wait3A_22 = arith.constant 0 : i32
    %dma_wait3A_23 = arith.constant 0 : i32
    %dma_wait3A_24 = tpu.memref_slice %arg2[%dma_wait3A_22, %dma_wait3A_23] : memref<10000x128xf32, #tpu.memory_space<hbm>> -> memref<10000x128xf32, #tpu.memory_space<hbm>>
    tpu.wait_indirect_dma semaphore(%arg7 : memref<!tpu.dma_semaphore, #tpu.memory_space<semaphore_mem>>) src(%dma_wait3A_24 : memref<10000x128xf32, #tpu.memory_space<hbm>>) dst(%dma_wait3A_19 : memref<128x128xf32, #tpu.memory_space<vmem>>)
    %dma_wait3A_25 = arith.constant 128 : i32
    %dma_wait3A_26 = arith.constant 0 : i32
    %dma_wait3A_27 = tpu.memref_slice %arg6[%dma_wait3A_25, %dma_wait3A_26] : memref<256x128xf32, #tpu.memory_space<vmem>> -> memref<128x128xf32, #tpu.memory_space<vmem>>
    %dma_wait3A_28 = arith.constant 128 : i32
    %dma_wait3A_29 = tpu.memref_slice %arg5[%dma_wait3A_28] : memref<256xi32, #tpu.memory_space<vmem>> -> memref<128xi32, #tpu.memory_space<vmem>>
    %dma_wait3A_30 = arith.constant 0 : i32
    %dma_wait3A_31 = arith.constant 0 : i32
    %dma_wait3A_32 = tpu.memref_slice %arg2[%dma_wait3A_30, %dma_wait3A_31] : memref<10000x128xf32, #tpu.memory_space<hbm>> -> memref<10000x128xf32, #tpu.memory_space<hbm>>
    tpu.wait_indirect_dma semaphore(%arg7 : memref<!tpu.dma_semaphore, #tpu.memory_space<semaphore_mem>>) src(%dma_wait3A_32 : memref<10000x128xf32, #tpu.memory_space<hbm>>) dst(%dma_wait3A_27 : memref<128x128xf32, #tpu.memory_space<vmem>>)
    %mul3A_33 = arith.constant 256 : i32
    %mul3A_34 = arith.muli %add3A, %mul3A_33 : i32
    "tpu.region"() ({
      %run_scoped3A = tpu.sem_alloc : memref<!tpu.dma_semaphore, #tpu.memory_space<semaphore_mem>>
      %dma_start3A_35 = arith.constant 0 : i32
      %dma_start3A_36 = tpu.memref_slice %arg4[%mul3A_34, %dma_start3A_35] : memref<8192x128xf32, #tpu.memory_space<hbm>> -> memref<256x128xf32, #tpu.memory_space<hbm>>
      %dma_start3A_37 = arith.constant 0 : i32
      %dma_start3A_38 = tpu.memref_slice %arg4[%mul3A_34, %dma_start3A_37] : memref<8192x128xf32, #tpu.memory_space<hbm>> -> memref<256x128xf32, #tpu.memory_space<hbm>>
      tpu.enqueue_dma source(%arg6 : memref<256x128xf32, #tpu.memory_space<vmem>>) target(%dma_start3A_38 : memref<256x128xf32, #tpu.memory_space<hbm>>) target_semaphore(%run_scoped3A : memref<!tpu.dma_semaphore, #tpu.memory_space<semaphore_mem>>)
      %dma_wait3A_39 = arith.constant 0 : i32
      %dma_wait3A_40 = tpu.memref_slice %arg4[%mul3A_34, %dma_wait3A_39] : memref<8192x128xf32, #tpu.memory_space<hbm>> -> memref<256x128xf32, #tpu.memory_space<hbm>>
      %dma_wait3A_41 = arith.constant 0 : i32
      %dma_wait3A_42 = tpu.memref_slice %arg4[%mul3A_34, %dma_wait3A_41] : memref<8192x128xf32, #tpu.memory_space<hbm>> -> memref<256x128xf32, #tpu.memory_space<hbm>>
      tpu.wait_dma2 semaphore(%run_scoped3A : memref<!tpu.dma_semaphore, #tpu.memory_space<semaphore_mem>>) src(%arg6 : memref<256x128xf32, #tpu.memory_space<vmem>>) dst(%dma_wait3A_42 : memref<256x128xf32, #tpu.memory_space<hbm>>)
      tpu.yield
    }) : () -> ()
    return
  }
}

module attributes {stable_mosaic.version = 14 : i64} {
  func.func @_tree_lstm_body(%arg0: memref<512x16x128xf32, #tpu.memory_space<vmem>>, %arg1: memref<256x384xf32, #tpu.memory_space<vmem>>, %arg2: memref<256x128xf32, #tpu.memory_space<vmem>>, %arg3: memref<1x384xf32, #tpu.memory_space<vmem>>, %arg4: memref<1x128xf32, #tpu.memory_space<vmem>>, %arg5: memref<16x128xf32, #tpu.memory_space<vmem>>, %arg6: memref<512x16x128xf32, #tpu.memory_space<vmem>>, %arg7: memref<512x16x128xf32, #tpu.memory_space<vmem>>) attributes {dimension_semantics = [], scalar_prefetch = 0 : i64, scratch_operands = 2 : i64, tpu.core_type = #tpu.core_type<tc>} {
    %get3A = arith.constant 0 : index
    %get3A_0 = arith.constant 0 : index
    %get3A_1 = vector.load %arg1[%get3A, %get3A_0] : memref<256x384xf32, #tpu.memory_space<vmem>>, vector<128x384xf32>
    %convert_element_type3A = arith.truncf %get3A_1 : vector<128x384xf32> to vector<128x384xbf16>
    %get3A_2 = arith.constant 128 : index
    %get3A_3 = arith.constant 0 : index
    %get3A_4 = vector.load %arg1[%get3A_2, %get3A_3] : memref<256x384xf32, #tpu.memory_space<vmem>>, vector<128x384xf32>
    %convert_element_type3A_5 = arith.truncf %get3A_4 : vector<128x384xf32> to vector<128x384xbf16>
    %get3A_6 = arith.constant 0 : index
    %get3A_7 = arith.constant 0 : index
    %get3A_8 = vector.load %arg2[%get3A_6, %get3A_7] : memref<256x128xf32, #tpu.memory_space<vmem>>, vector<128x128xf32>
    %convert_element_type3A_9 = arith.truncf %get3A_8 : vector<128x128xf32> to vector<128x128xbf16>
    %get3A_10 = arith.constant 128 : index
    %get3A_11 = arith.constant 0 : index
    %get3A_12 = vector.load %arg2[%get3A_10, %get3A_11] : memref<256x128xf32, #tpu.memory_space<vmem>>, vector<128x128xf32>
    %convert_element_type3A_13 = arith.truncf %get3A_12 : vector<128x128xf32> to vector<128x128xbf16>
    %get3A_14 = arith.constant 0 : index
    %get3A_15 = arith.constant 0 : index
    %get3A_16 = vector.load %arg3[%get3A_14, %get3A_15] : memref<1x384xf32, #tpu.memory_space<vmem>>, vector<1x384xf32>
    %get3A_17 = arith.constant 0 : index
    %get3A_18 = arith.constant 0 : index
    %get3A_19 = vector.load %arg4[%get3A_17, %get3A_18] : memref<1x128xf32, #tpu.memory_space<vmem>>, vector<1x128xf32>
    %get3A_20 = arith.constant 256 : index
    %get3A_21 = arith.constant 0 : index
    %get3A_22 = arith.constant 0 : index
    %get3A_23 = vector.load %arg0[%get3A_20, %get3A_21, %get3A_22] : memref<512x16x128xf32, #tpu.memory_space<vmem>>, vector<256x16x128xf32>
    %reshape3A = vector.shape_cast %get3A_23 : vector<256x16x128xf32> to vector<4096x128xf32>
    %convert_element_type3A_24 = arith.truncf %reshape3A : vector<4096x128xf32> to vector<4096x128xbf16>
    %dot_general3A = arith.constant dense<0.000000e+00> : vector<4096x384xf32>
    %dot_general3A_25 = tpu.matmul %convert_element_type3A_24, %convert_element_type3A, %dot_general3A {dimension_numbers = #tpu.dot_dimension_numbers<[1], [0], [0], [1], [0, 0, 1, 1], [], []>, transpose_lhs_hint = false} : vector<4096x128xbf16>, vector<128x384xbf16>, vector<4096x384xf32> -> vector<4096x384xf32>
    %add3A = vector.broadcast %get3A_16 : vector<1x384xf32> to vector<4096x384xf32>
    %add3A_26 = arith.addf %dot_general3A_25, %add3A : vector<4096x384xf32>
    %slice3A = vector.extract_strided_slice %add3A_26 {offsets = [0, 0], sizes = [4096, 128], strides = [1, 1]} : vector<4096x384xf32> to vector<4096x128xf32>
    %mul3A = arith.constant 5.000000e-01 : f32
    %mul3A_27 = vector.broadcast %mul3A : f32 to vector<4096x128xf32>
    %mul3A_28 = arith.mulf %mul3A_27, %slice3A : vector<4096x128xf32>
    %tanh3A = math.tanh %mul3A_28 : vector<4096x128xf32>
    %mul3A_29 = arith.constant 5.000000e-01 : f32
    %mul3A_30 = vector.broadcast %mul3A_29 : f32 to vector<4096x128xf32>
    %mul3A_31 = arith.mulf %mul3A_30, %tanh3A : vector<4096x128xf32>
    %add3A_32 = arith.constant 5.000000e-01 : f32
    %add3A_33 = vector.broadcast %add3A_32 : f32 to vector<4096x128xf32>
    %add3A_34 = arith.addf %mul3A_31, %add3A_33 : vector<4096x128xf32>
    %slice3A_35 = vector.extract_strided_slice %add3A_26 {offsets = [0, 128], sizes = [4096, 128], strides = [1, 1]} : vector<4096x384xf32> to vector<4096x128xf32>
    %mul3A_36 = arith.constant 5.000000e-01 : f32
    %mul3A_37 = vector.broadcast %mul3A_36 : f32 to vector<4096x128xf32>
    %mul3A_38 = arith.mulf %mul3A_37, %slice3A_35 : vector<4096x128xf32>
    %tanh3A_39 = math.tanh %mul3A_38 : vector<4096x128xf32>
    %mul3A_40 = arith.constant 5.000000e-01 : f32
    %mul3A_41 = vector.broadcast %mul3A_40 : f32 to vector<4096x128xf32>
    %mul3A_42 = arith.mulf %mul3A_41, %tanh3A_39 : vector<4096x128xf32>
    %add3A_43 = arith.constant 5.000000e-01 : f32
    %add3A_44 = vector.broadcast %add3A_43 : f32 to vector<4096x128xf32>
    %add3A_45 = arith.addf %mul3A_42, %add3A_44 : vector<4096x128xf32>
    %slice3A_46 = vector.extract_strided_slice %add3A_26 {offsets = [0, 256], sizes = [4096, 128], strides = [1, 1]} : vector<4096x384xf32> to vector<4096x128xf32>
    %tanh3A_47 = math.tanh %slice3A_46 : vector<4096x128xf32>
    %mul3A_48 = arith.mulf %add3A_34, %tanh3A_47 : vector<4096x128xf32>
    %tanh3A_49 = math.tanh %mul3A_48 : vector<4096x128xf32>
    %mul3A_50 = arith.mulf %add3A_45, %tanh3A_49 : vector<4096x128xf32>
    %reshape3A_51 = vector.shape_cast %mul3A_50 : vector<4096x128xf32> to vector<256x16x128xf32>
    %swap3A = arith.constant 256 : index
    %swap3A_52 = arith.constant 0 : index
    %swap3A_53 = arith.constant 0 : index
    %swap3A_54 = vector.load %arg6[%swap3A, %swap3A_52, %swap3A_53] : memref<512x16x128xf32, #tpu.memory_space<vmem>>, vector<256x16x128xf32>
    tpu.vector_store %arg6[%swap3A, %swap3A_52, %swap3A_53], %reshape3A_51 {strides = array<i32>} : memref<512x16x128xf32, #tpu.memory_space<vmem>>, vector<256x16x128xf32>,
    %reshape3A_55 = vector.shape_cast %mul3A_48 : vector<4096x128xf32> to vector<256x16x128xf32>
    %swap3A_56 = arith.constant 256 : index
    %swap3A_57 = arith.constant 0 : index
    %swap3A_58 = arith.constant 0 : index
    %swap3A_59 = vector.load %arg7[%swap3A_56, %swap3A_57, %swap3A_58] : memref<512x16x128xf32, #tpu.memory_space<vmem>>, vector<256x16x128xf32>
    tpu.vector_store %arg7[%swap3A_56, %swap3A_57, %swap3A_58], %reshape3A_55 {strides = array<i32>} : memref<512x16x128xf32, #tpu.memory_space<vmem>>, vector<256x16x128xf32>,
    %get3A_60 = arith.constant 255 : index
    %get3A_61 = arith.constant 0 : index
    %get3A_62 = arith.constant 0 : index
    %get3A_63 = vector.load %arg0[%get3A_60, %get3A_61, %get3A_62] : memref<512x16x128xf32, #tpu.memory_space<vmem>>, vector<1x16x128xf32>
    %get3A_64 = vector.shape_cast %get3A_63 : vector<1x16x128xf32> to vector<16x128xf32>
    %get3A_65 = arith.constant 511 : index
    %get3A_66 = arith.constant 0 : index
    %get3A_67 = arith.constant 0 : index
    %get3A_68 = vector.load %arg6[%get3A_65, %get3A_66, %get3A_67] : memref<512x16x128xf32, #tpu.memory_space<vmem>>, vector<1x16x128xf32>
    %get3A_69 = vector.shape_cast %get3A_68 : vector<1x16x128xf32> to vector<16x128xf32>
    %convert_element_type3A_70 = arith.truncf %get3A_64 : vector<16x128xf32> to vector<16x128xbf16>
    %convert_element_type3A_71 = arith.truncf %get3A_69 : vector<16x128xf32> to vector<16x128xbf16>
    %dot_general3A_72 = arith.constant dense<0.000000e+00> : vector<16x384xf32>
    %dot_general3A_73 = tpu.matmul %convert_element_type3A_70, %convert_element_type3A, %dot_general3A_72 {dimension_numbers = #tpu.dot_dimension_numbers<[1], [0], [0], [1], [0, 0, 1, 1], [], []>, transpose_lhs_hint = false} : vector<16x128xbf16>, vector<128x384xbf16>, vector<16x384xf32> -> vector<16x384xf32>
    %dot_general3A_74 = arith.constant dense<0.000000e+00> : vector<16x384xf32>
    %dot_general3A_75 = tpu.matmul %convert_element_type3A_71, %convert_element_type3A_5, %dot_general3A_74 {dimension_numbers = #tpu.dot_dimension_numbers<[1], [0], [0], [1], [0, 0, 1, 1], [], []>, transpose_lhs_hint = false} : vector<16x128xbf16>, vector<128x384xbf16>, vector<16x384xf32> -> vector<16x384xf32>
    %add3A_76 = arith.addf %dot_general3A_73, %dot_general3A_75 : vector<16x384xf32>
    %add3A_77 = vector.broadcast %get3A_16 : vector<1x384xf32> to vector<16x384xf32>
    %add3A_78 = arith.addf %add3A_76, %add3A_77 : vector<16x384xf32>
    %dot_general3A_79 = arith.constant dense<0.000000e+00> : vector<16x128xf32>
    %dot_general3A_80 = tpu.matmul %convert_element_type3A_70, %convert_element_type3A_9, %dot_general3A_79 {dimension_numbers = #tpu.dot_dimension_numbers<[1], [0], [0], [1], [0, 0, 1, 1], [], []>, transpose_lhs_hint = false} : vector<16x128xbf16>, vector<128x128xbf16>, vector<16x128xf32> -> vector<16x128xf32>
    %dot_general3A_81 = arith.constant dense<0.000000e+00> : vector<16x128xf32>
    %dot_general3A_82 = tpu.matmul %convert_element_type3A_71, %convert_element_type3A_13, %dot_general3A_81 {dimension_numbers = #tpu.dot_dimension_numbers<[1], [0], [0], [1], [0, 0, 1, 1], [], []>, transpose_lhs_hint = false} : vector<16x128xbf16>, vector<128x128xbf16>, vector<16x128xf32> -> vector<16x128xf32>
    %add3A_83 = arith.addf %dot_general3A_80, %dot_general3A_82 : vector<16x128xf32>
    %add3A_84 = vector.broadcast %get3A_19 : vector<1x128xf32> to vector<16x128xf32>
    %add3A_85 = arith.addf %add3A_83, %add3A_84 : vector<16x128xf32>
    %get3A_86 = arith.constant 511 : index
    %get3A_87 = arith.constant 0 : index
    %get3A_88 = arith.constant 0 : index
    %get3A_89 = vector.load %arg7[%get3A_86, %get3A_87, %get3A_88] : memref<512x16x128xf32, #tpu.memory_space<vmem>>, vector<1x16x128xf32>
    %get3A_90 = vector.shape_cast %get3A_89 : vector<1x16x128xf32> to vector<16x128xf32>
    %slice3A_91 = vector.extract_strided_slice %add3A_78 {offsets = [0, 0], sizes = [16, 128], strides = [1, 1]} : vector<16x384xf32> to vector<16x128xf32>
    %mul3A_92 = arith.constant 5.000000e-01 : f32
    %mul3A_93 = vector.broadcast %mul3A_92 : f32 to vector<16x128xf32>
    %mul3A_94 = arith.mulf %mul3A_93, %slice3A_91 : vector<16x128xf32>
    %tanh3A_95 = math.tanh %mul3A_94 : vector<16x128xf32>
    %mul3A_96 = arith.constant 5.000000e-01 : f32
    %mul3A_97 = vector.broadcast %mul3A_96 : f32 to vector<16x128xf32>
    %mul3A_98 = arith.mulf %mul3A_97, %tanh3A_95 : vector<16x128xf32>
    %add3A_99 = arith.constant 5.000000e-01 : f32
    %add3A_100 = vector.broadcast %add3A_99 : f32 to vector<16x128xf32>
    %add3A_101 = arith.addf %mul3A_98, %add3A_100 : vector<16x128xf32>
    %slice3A_102 = vector.extract_strided_slice %add3A_78 {offsets = [0, 128], sizes = [16, 128], strides = [1, 1]} : vector<16x384xf32> to vector<16x128xf32>
    %mul3A_103 = arith.constant 5.000000e-01 : f32
    %mul3A_104 = vector.broadcast %mul3A_103 : f32 to vector<16x128xf32>
    %mul3A_105 = arith.mulf %mul3A_104, %slice3A_102 : vector<16x128xf32>
    %tanh3A_106 = math.tanh %mul3A_105 : vector<16x128xf32>
    %mul3A_107 = arith.constant 5.000000e-01 : f32
    %mul3A_108 = vector.broadcast %mul3A_107 : f32 to vector<16x128xf32>
    %mul3A_109 = arith.mulf %mul3A_108, %tanh3A_106 : vector<16x128xf32>
    %add3A_110 = arith.constant 5.000000e-01 : f32
    %add3A_111 = vector.broadcast %add3A_110 : f32 to vector<16x128xf32>
    %add3A_112 = arith.addf %mul3A_109, %add3A_111 : vector<16x128xf32>
    %slice3A_113 = vector.extract_strided_slice %add3A_78 {offsets = [0, 256], sizes = [16, 128], strides = [1, 1]} : vector<16x384xf32> to vector<16x128xf32>
    %tanh3A_114 = math.tanh %slice3A_113 : vector<16x128xf32>
    %mul3A_115 = arith.constant 5.000000e-01 : f32
    %mul3A_116 = vector.broadcast %mul3A_115 : f32 to vector<16x128xf32>
    %mul3A_117 = arith.mulf %mul3A_116, %add3A_85 : vector<16x128xf32>
    %tanh3A_118 = math.tanh %mul3A_117 : vector<16x128xf32>
    %mul3A_119 = arith.constant 5.000000e-01 : f32
    %mul3A_120 = vector.broadcast %mul3A_119 : f32 to vector<16x128xf32>
    %mul3A_121 = arith.mulf %mul3A_120, %tanh3A_118 : vector<16x128xf32>
    %add3A_122 = arith.constant 5.000000e-01 : f32
    %add3A_123 = vector.broadcast %add3A_122 : f32 to vector<16x128xf32>
    %add3A_124 = arith.addf %mul3A_121, %add3A_123 : vector<16x128xf32>
    %mul3A_125 = arith.mulf %add3A_101, %tanh3A_114 : vector<16x128xf32>
    %mul3A_126 = arith.mulf %add3A_124, %get3A_90 : vector<16x128xf32>
    %add3A_127 = arith.addf %mul3A_125, %mul3A_126 : vector<16x128xf32>
    %tanh3A_128 = math.tanh %add3A_127 : vector<16x128xf32>
    %mul3A_129 = arith.mulf %add3A_112, %tanh3A_128 : vector<16x128xf32>
    %swap3A_130 = arith.constant 255 : index
    %swap3A_131 = arith.constant 0 : index
    %swap3A_132 = arith.constant 0 : index
    %swap3A_133 = vector.load %arg6[%swap3A_130, %swap3A_131, %swap3A_132] : memref<512x16x128xf32, #tpu.memory_space<vmem>>, vector<1x16x128xf32>
    %swap3A_134 = vector.shape_cast %swap3A_133 : vector<1x16x128xf32> to vector<16x128xf32>
    %swap3A_135 = vector.shape_cast %mul3A_129 : vector<16x128xf32> to vector<1x16x128xf32>
    tpu.vector_store %arg6[%swap3A_130, %swap3A_131, %swap3A_132], %swap3A_135 {strides = array<i32>} : memref<512x16x128xf32, #tpu.memory_space<vmem>>, vector<1x16x128xf32>,
    %swap3A_136 = arith.constant 255 : index
    %swap3A_137 = arith.constant 0 : index
    %swap3A_138 = arith.constant 0 : index
    %swap3A_139 = vector.load %arg7[%swap3A_136, %swap3A_137, %swap3A_138] : memref<512x16x128xf32, #tpu.memory_space<vmem>>, vector<1x16x128xf32>
    %swap3A_140 = vector.shape_cast %swap3A_139 : vector<1x16x128xf32> to vector<16x128xf32>
    %swap3A_141 = vector.shape_cast %add3A_127 : vector<16x128xf32> to vector<1x16x128xf32>
    tpu.vector_store %arg7[%swap3A_136, %swap3A_137, %swap3A_138], %swap3A_141 {strides = array<i32>} : memref<512x16x128xf32, #tpu.memory_space<vmem>>, vector<1x16x128xf32>,
    %get3A_142 = arith.constant 255 : index
    %get3A_143 = arith.constant 0 : index
    %get3A_144 = arith.constant 0 : index
    %get3A_145 = vector.load %arg6[%get3A_142, %get3A_143, %get3A_144] : memref<512x16x128xf32, #tpu.memory_space<vmem>>, vector<256x16x128xf32>
    %reshape3A_146 = vector.shape_cast %get3A_145 : vector<256x16x128xf32> to vector<128x32x128xf32>
    %get3A_147 = arith.constant 255 : index
    %get3A_148 = arith.constant 0 : index
    %get3A_149 = arith.constant 0 : index
    %get3A_150 = vector.load %arg7[%get3A_147, %get3A_148, %get3A_149] : memref<512x16x128xf32, #tpu.memory_space<vmem>>, vector<256x16x128xf32>
    %reshape3A_151 = vector.shape_cast %get3A_150 : vector<256x16x128xf32> to vector<128x32x128xf32>
    %slice3A_152 = vector.extract_strided_slice %reshape3A_146 {offsets = [0, 0, 0], sizes = [128, 16, 128], strides = [1, 1, 1]} : vector<128x32x128xf32> to vector<128x16x128xf32>
    %slice3A_153 = vector.extract_strided_slice %reshape3A_146 {offsets = [0, 16, 0], sizes = [128, 16, 128], strides = [1, 1, 1]} : vector<128x32x128xf32> to vector<128x16x128xf32>
    %add3A_154 = arith.addf %slice3A_152, %slice3A_153 : vector<128x16x128xf32>
    %reshape3A_155 = vector.shape_cast %add3A_154 : vector<128x16x128xf32> to vector<2048x128xf32>
    %slice3A_156 = vector.extract_strided_slice %reshape3A_151 {offsets = [0, 0, 0], sizes = [128, 16, 128], strides = [1, 1, 1]} : vector<128x32x128xf32> to vector<128x16x128xf32>
    %slice3A_157 = vector.extract_strided_slice %reshape3A_151 {offsets = [0, 16, 0], sizes = [128, 16, 128], strides = [1, 1, 1]} : vector<128x32x128xf32> to vector<128x16x128xf32>
    %add3A_158 = arith.addf %slice3A_156, %slice3A_157 : vector<128x16x128xf32>
    %reshape3A_159 = vector.shape_cast %add3A_158 : vector<128x16x128xf32> to vector<2048x128xf32>
    %get3A_160 = arith.constant 127 : index
    %get3A_161 = arith.constant 0 : index
    %get3A_162 = arith.constant 0 : index
    %get3A_163 = vector.load %arg0[%get3A_160, %get3A_161, %get3A_162] : memref<512x16x128xf32, #tpu.memory_space<vmem>>, vector<128x16x128xf32>
    %reshape3A_164 = vector.shape_cast %get3A_163 : vector<128x16x128xf32> to vector<2048x128xf32>
    %convert_element_type3A_165 = arith.truncf %reshape3A_164 : vector<2048x128xf32> to vector<2048x128xbf16>
    %convert_element_type3A_166 = arith.truncf %reshape3A_155 : vector<2048x128xf32> to vector<2048x128xbf16>
    %dot_general3A_167 = arith.constant dense<0.000000e+00> : vector<2048x384xf32>
    %dot_general3A_168 = tpu.matmul %convert_element_type3A_165, %convert_element_type3A, %dot_general3A_167 {dimension_numbers = #tpu.dot_dimension_numbers<[1], [0], [0], [1], [0, 0, 1, 1], [], []>, transpose_lhs_hint = false} : vector<2048x128xbf16>, vector<128x384xbf16>, vector<2048x384xf32> -> vector<2048x384xf32>
    %dot_general3A_169 = arith.constant dense<0.000000e+00> : vector<2048x384xf32>
    %dot_general3A_170 = tpu.matmul %convert_element_type3A_166, %convert_element_type3A_5, %dot_general3A_169 {dimension_numbers = #tpu.dot_dimension_numbers<[1], [0], [0], [1], [0, 0, 1, 1], [], []>, transpose_lhs_hint = false} : vector<2048x128xbf16>, vector<128x384xbf16>, vector<2048x384xf32> -> vector<2048x384xf32>
    %add3A_171 = arith.addf %dot_general3A_168, %dot_general3A_170 : vector<2048x384xf32>
    %add3A_172 = vector.broadcast %get3A_16 : vector<1x384xf32> to vector<2048x384xf32>
    %add3A_173 = arith.addf %add3A_171, %add3A_172 : vector<2048x384xf32>
    %dot_general3A_174 = arith.constant dense<0.000000e+00> : vector<2048x128xf32>
    %dot_general3A_175 = tpu.matmul %convert_element_type3A_165, %convert_element_type3A_9, %dot_general3A_174 {dimension_numbers = #tpu.dot_dimension_numbers<[1], [0], [0], [1], [0, 0, 1, 1], [], []>, transpose_lhs_hint = false} : vector<2048x128xbf16>, vector<128x128xbf16>, vector<2048x128xf32> -> vector<2048x128xf32>
    %dot_general3A_176 = arith.constant dense<0.000000e+00> : vector<2048x128xf32>
    %dot_general3A_177 = tpu.matmul %convert_element_type3A_166, %convert_element_type3A_13, %dot_general3A_176 {dimension_numbers = #tpu.dot_dimension_numbers<[1], [0], [0], [1], [0, 0, 1, 1], [], []>, transpose_lhs_hint = false} : vector<2048x128xbf16>, vector<128x128xbf16>, vector<2048x128xf32> -> vector<2048x128xf32>
    %add3A_178 = arith.addf %dot_general3A_175, %dot_general3A_177 : vector<2048x128xf32>
    %add3A_179 = vector.broadcast %get3A_19 : vector<1x128xf32> to vector<2048x128xf32>
    %add3A_180 = arith.addf %add3A_178, %add3A_179 : vector<2048x128xf32>
    %slice3A_181 = vector.extract_strided_slice %add3A_173 {offsets = [0, 0], sizes = [2048, 128], strides = [1, 1]} : vector<2048x384xf32> to vector<2048x128xf32>
    %mul3A_182 = arith.constant 5.000000e-01 : f32
    %mul3A_183 = vector.broadcast %mul3A_182 : f32 to vector<2048x128xf32>
    %mul3A_184 = arith.mulf %mul3A_183, %slice3A_181 : vector<2048x128xf32>
    %tanh3A_185 = math.tanh %mul3A_184 : vector<2048x128xf32>
    %mul3A_186 = arith.constant 5.000000e-01 : f32
    %mul3A_187 = vector.broadcast %mul3A_186 : f32 to vector<2048x128xf32>
    %mul3A_188 = arith.mulf %mul3A_187, %tanh3A_185 : vector<2048x128xf32>
    %add3A_189 = arith.constant 5.000000e-01 : f32
    %add3A_190 = vector.broadcast %add3A_189 : f32 to vector<2048x128xf32>
    %add3A_191 = arith.addf %mul3A_188, %add3A_190 : vector<2048x128xf32>
    %slice3A_192 = vector.extract_strided_slice %add3A_173 {offsets = [0, 128], sizes = [2048, 128], strides = [1, 1]} : vector<2048x384xf32> to vector<2048x128xf32>
    %mul3A_193 = arith.constant 5.000000e-01 : f32
    %mul3A_194 = vector.broadcast %mul3A_193 : f32 to vector<2048x128xf32>
    %mul3A_195 = arith.mulf %mul3A_194, %slice3A_192 : vector<2048x128xf32>
    %tanh3A_196 = math.tanh %mul3A_195 : vector<2048x128xf32>
    %mul3A_197 = arith.constant 5.000000e-01 : f32
    %mul3A_198 = vector.broadcast %mul3A_197 : f32 to vector<2048x128xf32>
    %mul3A_199 = arith.mulf %mul3A_198, %tanh3A_196 : vector<2048x128xf32>
    %add3A_200 = arith.constant 5.000000e-01 : f32
    %add3A_201 = vector.broadcast %add3A_200 : f32 to vector<2048x128xf32>
    %add3A_202 = arith.addf %mul3A_199, %add3A_201 : vector<2048x128xf32>
    %slice3A_203 = vector.extract_strided_slice %add3A_173 {offsets = [0, 256], sizes = [2048, 128], strides = [1, 1]} : vector<2048x384xf32> to vector<2048x128xf32>
    %tanh3A_204 = math.tanh %slice3A_203 : vector<2048x128xf32>
    %mul3A_205 = arith.constant 5.000000e-01 : f32
    %mul3A_206 = vector.broadcast %mul3A_205 : f32 to vector<2048x128xf32>
    %mul3A_207 = arith.mulf %mul3A_206, %add3A_180 : vector<2048x128xf32>
    %tanh3A_208 = math.tanh %mul3A_207 : vector<2048x128xf32>
    %mul3A_209 = arith.constant 5.000000e-01 : f32
    %mul3A_210 = vector.broadcast %mul3A_209 : f32 to vector<2048x128xf32>
    %mul3A_211 = arith.mulf %mul3A_210, %tanh3A_208 : vector<2048x128xf32>
    %add3A_212 = arith.constant 5.000000e-01 : f32
    %add3A_213 = vector.broadcast %add3A_212 : f32 to vector<2048x128xf32>
    %add3A_214 = arith.addf %mul3A_211, %add3A_213 : vector<2048x128xf32>
    %mul3A_215 = arith.mulf %add3A_191, %tanh3A_204 : vector<2048x128xf32>
    %mul3A_216 = arith.mulf %add3A_214, %reshape3A_159 : vector<2048x128xf32>
    %add3A_217 = arith.addf %mul3A_215, %mul3A_216 : vector<2048x128xf32>
    %tanh3A_218 = math.tanh %add3A_217 : vector<2048x128xf32>
    %mul3A_219 = arith.mulf %add3A_202, %tanh3A_218 : vector<2048x128xf32>
    %reshape3A_220 = vector.shape_cast %mul3A_219 : vector<2048x128xf32> to vector<128x16x128xf32>
    %swap3A_221 = arith.constant 127 : index
    %swap3A_222 = arith.constant 0 : index
    %swap3A_223 = arith.constant 0 : index
    %swap3A_224 = vector.load %arg6[%swap3A_221, %swap3A_222, %swap3A_223] : memref<512x16x128xf32, #tpu.memory_space<vmem>>, vector<128x16x128xf32>
    tpu.vector_store %arg6[%swap3A_221, %swap3A_222, %swap3A_223], %reshape3A_220 {strides = array<i32>} : memref<512x16x128xf32, #tpu.memory_space<vmem>>, vector<128x16x128xf32>,
    %reshape3A_225 = vector.shape_cast %add3A_217 : vector<2048x128xf32> to vector<128x16x128xf32>
    %swap3A_226 = arith.constant 127 : index
    %swap3A_227 = arith.constant 0 : index
    %swap3A_228 = arith.constant 0 : index
    %swap3A_229 = vector.load %arg7[%swap3A_226, %swap3A_227, %swap3A_228] : memref<512x16x128xf32, #tpu.memory_space<vmem>>, vector<128x16x128xf32>
    tpu.vector_store %arg7[%swap3A_226, %swap3A_227, %swap3A_228], %reshape3A_225 {strides = array<i32>} : memref<512x16x128xf32, #tpu.memory_space<vmem>>, vector<128x16x128xf32>,
    %get3A_230 = arith.constant 127 : index
    %get3A_231 = arith.constant 0 : index
    %get3A_232 = arith.constant 0 : index
    %get3A_233 = vector.load %arg6[%get3A_230, %get3A_231, %get3A_232] : memref<512x16x128xf32, #tpu.memory_space<vmem>>, vector<128x16x128xf32>
    %reshape3A_234 = vector.shape_cast %get3A_233 : vector<128x16x128xf32> to vector<64x32x128xf32>
    %get3A_235 = arith.constant 127 : index
    %get3A_236 = arith.constant 0 : index
    %get3A_237 = arith.constant 0 : index
    %get3A_238 = vector.load %arg7[%get3A_235, %get3A_236, %get3A_237] : memref<512x16x128xf32, #tpu.memory_space<vmem>>, vector<128x16x128xf32>
    %reshape3A_239 = vector.shape_cast %get3A_238 : vector<128x16x128xf32> to vector<64x32x128xf32>
    %slice3A_240 = vector.extract_strided_slice %reshape3A_234 {offsets = [0, 0, 0], sizes = [64, 16, 128], strides = [1, 1, 1]} : vector<64x32x128xf32> to vector<64x16x128xf32>
    %slice3A_241 = vector.extract_strided_slice %reshape3A_234 {offsets = [0, 16, 0], sizes = [64, 16, 128], strides = [1, 1, 1]} : vector<64x32x128xf32> to vector<64x16x128xf32>
    %add3A_242 = arith.addf %slice3A_240, %slice3A_241 : vector<64x16x128xf32>
    %reshape3A_243 = vector.shape_cast %add3A_242 : vector<64x16x128xf32> to vector<1024x128xf32>
    %slice3A_244 = vector.extract_strided_slice %reshape3A_239 {offsets = [0, 0, 0], sizes = [64, 16, 128], strides = [1, 1, 1]} : vector<64x32x128xf32> to vector<64x16x128xf32>
    %slice3A_245 = vector.extract_strided_slice %reshape3A_239 {offsets = [0, 16, 0], sizes = [64, 16, 128], strides = [1, 1, 1]} : vector<64x32x128xf32> to vector<64x16x128xf32>
    %add3A_246 = arith.addf %slice3A_244, %slice3A_245 : vector<64x16x128xf32>
    %reshape3A_247 = vector.shape_cast %add3A_246 : vector<64x16x128xf32> to vector<1024x128xf32>
    %get3A_248 = arith.constant 63 : index
    %get3A_249 = arith.constant 0 : index
    %get3A_250 = arith.constant 0 : index
    %get3A_251 = vector.load %arg0[%get3A_248, %get3A_249, %get3A_250] : memref<512x16x128xf32, #tpu.memory_space<vmem>>, vector<64x16x128xf32>
    %reshape3A_252 = vector.shape_cast %get3A_251 : vector<64x16x128xf32> to vector<1024x128xf32>
    %convert_element_type3A_253 = arith.truncf %reshape3A_252 : vector<1024x128xf32> to vector<1024x128xbf16>
    %convert_element_type3A_254 = arith.truncf %reshape3A_243 : vector<1024x128xf32> to vector<1024x128xbf16>
    %dot_general3A_255 = arith.constant dense<0.000000e+00> : vector<1024x384xf32>
    %dot_general3A_256 = tpu.matmul %convert_element_type3A_253, %convert_element_type3A, %dot_general3A_255 {dimension_numbers = #tpu.dot_dimension_numbers<[1], [0], [0], [1], [0, 0, 1, 1], [], []>, transpose_lhs_hint = false} : vector<1024x128xbf16>, vector<128x384xbf16>, vector<1024x384xf32> -> vector<1024x384xf32>
    %dot_general3A_257 = arith.constant dense<0.000000e+00> : vector<1024x384xf32>
    %dot_general3A_258 = tpu.matmul %convert_element_type3A_254, %convert_element_type3A_5, %dot_general3A_257 {dimension_numbers = #tpu.dot_dimension_numbers<[1], [0], [0], [1], [0, 0, 1, 1], [], []>, transpose_lhs_hint = false} : vector<1024x128xbf16>, vector<128x384xbf16>, vector<1024x384xf32> -> vector<1024x384xf32>
    %add3A_259 = arith.addf %dot_general3A_256, %dot_general3A_258 : vector<1024x384xf32>
    %add3A_260 = vector.broadcast %get3A_16 : vector<1x384xf32> to vector<1024x384xf32>
    %add3A_261 = arith.addf %add3A_259, %add3A_260 : vector<1024x384xf32>
    %dot_general3A_262 = arith.constant dense<0.000000e+00> : vector<1024x128xf32>
    %dot_general3A_263 = tpu.matmul %convert_element_type3A_253, %convert_element_type3A_9, %dot_general3A_262 {dimension_numbers = #tpu.dot_dimension_numbers<[1], [0], [0], [1], [0, 0, 1, 1], [], []>, transpose_lhs_hint = false} : vector<1024x128xbf16>, vector<128x128xbf16>, vector<1024x128xf32> -> vector<1024x128xf32>
    %dot_general3A_264 = arith.constant dense<0.000000e+00> : vector<1024x128xf32>
    %dot_general3A_265 = tpu.matmul %convert_element_type3A_254, %convert_element_type3A_13, %dot_general3A_264 {dimension_numbers = #tpu.dot_dimension_numbers<[1], [0], [0], [1], [0, 0, 1, 1], [], []>, transpose_lhs_hint = false} : vector<1024x128xbf16>, vector<128x128xbf16>, vector<1024x128xf32> -> vector<1024x128xf32>
    %add3A_266 = arith.addf %dot_general3A_263, %dot_general3A_265 : vector<1024x128xf32>
    %add3A_267 = vector.broadcast %get3A_19 : vector<1x128xf32> to vector<1024x128xf32>
    %add3A_268 = arith.addf %add3A_266, %add3A_267 : vector<1024x128xf32>
    %slice3A_269 = vector.extract_strided_slice %add3A_261 {offsets = [0, 0], sizes = [1024, 128], strides = [1, 1]} : vector<1024x384xf32> to vector<1024x128xf32>
    %mul3A_270 = arith.constant 5.000000e-01 : f32
    %mul3A_271 = vector.broadcast %mul3A_270 : f32 to vector<1024x128xf32>
    %mul3A_272 = arith.mulf %mul3A_271, %slice3A_269 : vector<1024x128xf32>
    %tanh3A_273 = math.tanh %mul3A_272 : vector<1024x128xf32>
    %mul3A_274 = arith.constant 5.000000e-01 : f32
    %mul3A_275 = vector.broadcast %mul3A_274 : f32 to vector<1024x128xf32>
    %mul3A_276 = arith.mulf %mul3A_275, %tanh3A_273 : vector<1024x128xf32>
    %add3A_277 = arith.constant 5.000000e-01 : f32
    %add3A_278 = vector.broadcast %add3A_277 : f32 to vector<1024x128xf32>
    %add3A_279 = arith.addf %mul3A_276, %add3A_278 : vector<1024x128xf32>
    %slice3A_280 = vector.extract_strided_slice %add3A_261 {offsets = [0, 128], sizes = [1024, 128], strides = [1, 1]} : vector<1024x384xf32> to vector<1024x128xf32>
    %mul3A_281 = arith.constant 5.000000e-01 : f32
    %mul3A_282 = vector.broadcast %mul3A_281 : f32 to vector<1024x128xf32>
    %mul3A_283 = arith.mulf %mul3A_282, %slice3A_280 : vector<1024x128xf32>
    %tanh3A_284 = math.tanh %mul3A_283 : vector<1024x128xf32>
    %mul3A_285 = arith.constant 5.000000e-01 : f32
    %mul3A_286 = vector.broadcast %mul3A_285 : f32 to vector<1024x128xf32>
    %mul3A_287 = arith.mulf %mul3A_286, %tanh3A_284 : vector<1024x128xf32>
    %add3A_288 = arith.constant 5.000000e-01 : f32
    %add3A_289 = vector.broadcast %add3A_288 : f32 to vector<1024x128xf32>
    %add3A_290 = arith.addf %mul3A_287, %add3A_289 : vector<1024x128xf32>
    %slice3A_291 = vector.extract_strided_slice %add3A_261 {offsets = [0, 256], sizes = [1024, 128], strides = [1, 1]} : vector<1024x384xf32> to vector<1024x128xf32>
    %tanh3A_292 = math.tanh %slice3A_291 : vector<1024x128xf32>
    %mul3A_293 = arith.constant 5.000000e-01 : f32
    %mul3A_294 = vector.broadcast %mul3A_293 : f32 to vector<1024x128xf32>
    %mul3A_295 = arith.mulf %mul3A_294, %add3A_268 : vector<1024x128xf32>
    %tanh3A_296 = math.tanh %mul3A_295 : vector<1024x128xf32>
    %mul3A_297 = arith.constant 5.000000e-01 : f32
    %mul3A_298 = vector.broadcast %mul3A_297 : f32 to vector<1024x128xf32>
    %mul3A_299 = arith.mulf %mul3A_298, %tanh3A_296 : vector<1024x128xf32>
    %add3A_300 = arith.constant 5.000000e-01 : f32
    %add3A_301 = vector.broadcast %add3A_300 : f32 to vector<1024x128xf32>
    %add3A_302 = arith.addf %mul3A_299, %add3A_301 : vector<1024x128xf32>
    %mul3A_303 = arith.mulf %add3A_279, %tanh3A_292 : vector<1024x128xf32>
    %mul3A_304 = arith.mulf %add3A_302, %reshape3A_247 : vector<1024x128xf32>
    %add3A_305 = arith.addf %mul3A_303, %mul3A_304 : vector<1024x128xf32>
    %tanh3A_306 = math.tanh %add3A_305 : vector<1024x128xf32>
    %mul3A_307 = arith.mulf %add3A_290, %tanh3A_306 : vector<1024x128xf32>
    %reshape3A_308 = vector.shape_cast %mul3A_307 : vector<1024x128xf32> to vector<64x16x128xf32>
    %swap3A_309 = arith.constant 63 : index
    %swap3A_310 = arith.constant 0 : index
    %swap3A_311 = arith.constant 0 : index
    %swap3A_312 = vector.load %arg6[%swap3A_309, %swap3A_310, %swap3A_311] : memref<512x16x128xf32, #tpu.memory_space<vmem>>, vector<64x16x128xf32>
    tpu.vector_store %arg6[%swap3A_309, %swap3A_310, %swap3A_311], %reshape3A_308 {strides = array<i32>} : memref<512x16x128xf32, #tpu.memory_space<vmem>>, vector<64x16x128xf32>,
    %reshape3A_313 = vector.shape_cast %add3A_305 : vector<1024x128xf32> to vector<64x16x128xf32>
    %swap3A_314 = arith.constant 63 : index
    %swap3A_315 = arith.constant 0 : index
    %swap3A_316 = arith.constant 0 : index
    %swap3A_317 = vector.load %arg7[%swap3A_314, %swap3A_315, %swap3A_316] : memref<512x16x128xf32, #tpu.memory_space<vmem>>, vector<64x16x128xf32>
    tpu.vector_store %arg7[%swap3A_314, %swap3A_315, %swap3A_316], %reshape3A_313 {strides = array<i32>} : memref<512x16x128xf32, #tpu.memory_space<vmem>>, vector<64x16x128xf32>,
    %get3A_318 = arith.constant 63 : index
    %get3A_319 = arith.constant 0 : index
    %get3A_320 = arith.constant 0 : index
    %get3A_321 = vector.load %arg6[%get3A_318, %get3A_319, %get3A_320] : memref<512x16x128xf32, #tpu.memory_space<vmem>>, vector<64x16x128xf32>
    %reshape3A_322 = vector.shape_cast %get3A_321 : vector<64x16x128xf32> to vector<32x32x128xf32>
    %get3A_323 = arith.constant 63 : index
    %get3A_324 = arith.constant 0 : index
    %get3A_325 = arith.constant 0 : index
    %get3A_326 = vector.load %arg7[%get3A_323, %get3A_324, %get3A_325] : memref<512x16x128xf32, #tpu.memory_space<vmem>>, vector<64x16x128xf32>
    %reshape3A_327 = vector.shape_cast %get3A_326 : vector<64x16x128xf32> to vector<32x32x128xf32>
    %slice3A_328 = vector.extract_strided_slice %reshape3A_322 {offsets = [0, 0, 0], sizes = [32, 16, 128], strides = [1, 1, 1]} : vector<32x32x128xf32> to vector<32x16x128xf32>
    %slice3A_329 = vector.extract_strided_slice %reshape3A_322 {offsets = [0, 16, 0], sizes = [32, 16, 128], strides = [1, 1, 1]} : vector<32x32x128xf32> to vector<32x16x128xf32>
    %add3A_330 = arith.addf %slice3A_328, %slice3A_329 : vector<32x16x128xf32>
    %reshape3A_331 = vector.shape_cast %add3A_330 : vector<32x16x128xf32> to vector<512x128xf32>
    %slice3A_332 = vector.extract_strided_slice %reshape3A_327 {offsets = [0, 0, 0], sizes = [32, 16, 128], strides = [1, 1, 1]} : vector<32x32x128xf32> to vector<32x16x128xf32>
    %slice3A_333 = vector.extract_strided_slice %reshape3A_327 {offsets = [0, 16, 0], sizes = [32, 16, 128], strides = [1, 1, 1]} : vector<32x32x128xf32> to vector<32x16x128xf32>
    %add3A_334 = arith.addf %slice3A_332, %slice3A_333 : vector<32x16x128xf32>
    %reshape3A_335 = vector.shape_cast %add3A_334 : vector<32x16x128xf32> to vector<512x128xf32>
    %get3A_336 = arith.constant 31 : index
    %get3A_337 = arith.constant 0 : index
    %get3A_338 = arith.constant 0 : index
    %get3A_339 = vector.load %arg0[%get3A_336, %get3A_337, %get3A_338] : memref<512x16x128xf32, #tpu.memory_space<vmem>>, vector<32x16x128xf32>
    %reshape3A_340 = vector.shape_cast %get3A_339 : vector<32x16x128xf32> to vector<512x128xf32>
    %convert_element_type3A_341 = arith.truncf %reshape3A_340 : vector<512x128xf32> to vector<512x128xbf16>
    %convert_element_type3A_342 = arith.truncf %reshape3A_331 : vector<512x128xf32> to vector<512x128xbf16>
    %dot_general3A_343 = arith.constant dense<0.000000e+00> : vector<512x384xf32>
    %dot_general3A_344 = tpu.matmul %convert_element_type3A_341, %convert_element_type3A, %dot_general3A_343 {dimension_numbers = #tpu.dot_dimension_numbers<[1], [0], [0], [1], [0, 0, 1, 1], [], []>, transpose_lhs_hint = false} : vector<512x128xbf16>, vector<128x384xbf16>, vector<512x384xf32> -> vector<512x384xf32>
    %dot_general3A_345 = arith.constant dense<0.000000e+00> : vector<512x384xf32>
    %dot_general3A_346 = tpu.matmul %convert_element_type3A_342, %convert_element_type3A_5, %dot_general3A_345 {dimension_numbers = #tpu.dot_dimension_numbers<[1], [0], [0], [1], [0, 0, 1, 1], [], []>, transpose_lhs_hint = false} : vector<512x128xbf16>, vector<128x384xbf16>, vector<512x384xf32> -> vector<512x384xf32>
    %add3A_347 = arith.addf %dot_general3A_344, %dot_general3A_346 : vector<512x384xf32>
    %add3A_348 = vector.broadcast %get3A_16 : vector<1x384xf32> to vector<512x384xf32>
    %add3A_349 = arith.addf %add3A_347, %add3A_348 : vector<512x384xf32>
    %dot_general3A_350 = arith.constant dense<0.000000e+00> : vector<512x128xf32>
    %dot_general3A_351 = tpu.matmul %convert_element_type3A_341, %convert_element_type3A_9, %dot_general3A_350 {dimension_numbers = #tpu.dot_dimension_numbers<[1], [0], [0], [1], [0, 0, 1, 1], [], []>, transpose_lhs_hint = false} : vector<512x128xbf16>, vector<128x128xbf16>, vector<512x128xf32> -> vector<512x128xf32>
    %dot_general3A_352 = arith.constant dense<0.000000e+00> : vector<512x128xf32>
    %dot_general3A_353 = tpu.matmul %convert_element_type3A_342, %convert_element_type3A_13, %dot_general3A_352 {dimension_numbers = #tpu.dot_dimension_numbers<[1], [0], [0], [1], [0, 0, 1, 1], [], []>, transpose_lhs_hint = false} : vector<512x128xbf16>, vector<128x128xbf16>, vector<512x128xf32> -> vector<512x128xf32>
    %add3A_354 = arith.addf %dot_general3A_351, %dot_general3A_353 : vector<512x128xf32>
    %add3A_355 = vector.broadcast %get3A_19 : vector<1x128xf32> to vector<512x128xf32>
    %add3A_356 = arith.addf %add3A_354, %add3A_355 : vector<512x128xf32>
    %slice3A_357 = vector.extract_strided_slice %add3A_349 {offsets = [0, 0], sizes = [512, 128], strides = [1, 1]} : vector<512x384xf32> to vector<512x128xf32>
    %mul3A_358 = arith.constant 5.000000e-01 : f32
    %mul3A_359 = vector.broadcast %mul3A_358 : f32 to vector<512x128xf32>
    %mul3A_360 = arith.mulf %mul3A_359, %slice3A_357 : vector<512x128xf32>
    %tanh3A_361 = math.tanh %mul3A_360 : vector<512x128xf32>
    %mul3A_362 = arith.constant 5.000000e-01 : f32
    %mul3A_363 = vector.broadcast %mul3A_362 : f32 to vector<512x128xf32>
    %mul3A_364 = arith.mulf %mul3A_363, %tanh3A_361 : vector<512x128xf32>
    %add3A_365 = arith.constant 5.000000e-01 : f32
    %add3A_366 = vector.broadcast %add3A_365 : f32 to vector<512x128xf32>
    %add3A_367 = arith.addf %mul3A_364, %add3A_366 : vector<512x128xf32>
    %slice3A_368 = vector.extract_strided_slice %add3A_349 {offsets = [0, 128], sizes = [512, 128], strides = [1, 1]} : vector<512x384xf32> to vector<512x128xf32>
    %mul3A_369 = arith.constant 5.000000e-01 : f32
    %mul3A_370 = vector.broadcast %mul3A_369 : f32 to vector<512x128xf32>
    %mul3A_371 = arith.mulf %mul3A_370, %slice3A_368 : vector<512x128xf32>
    %tanh3A_372 = math.tanh %mul3A_371 : vector<512x128xf32>
    %mul3A_373 = arith.constant 5.000000e-01 : f32
    %mul3A_374 = vector.broadcast %mul3A_373 : f32 to vector<512x128xf32>
    %mul3A_375 = arith.mulf %mul3A_374, %tanh3A_372 : vector<512x128xf32>
    %add3A_376 = arith.constant 5.000000e-01 : f32
    %add3A_377 = vector.broadcast %add3A_376 : f32 to vector<512x128xf32>
    %add3A_378 = arith.addf %mul3A_375, %add3A_377 : vector<512x128xf32>
    %slice3A_379 = vector.extract_strided_slice %add3A_349 {offsets = [0, 256], sizes = [512, 128], strides = [1, 1]} : vector<512x384xf32> to vector<512x128xf32>
    %tanh3A_380 = math.tanh %slice3A_379 : vector<512x128xf32>
    %mul3A_381 = arith.constant 5.000000e-01 : f32
    %mul3A_382 = vector.broadcast %mul3A_381 : f32 to vector<512x128xf32>
    %mul3A_383 = arith.mulf %mul3A_382, %add3A_356 : vector<512x128xf32>
    %tanh3A_384 = math.tanh %mul3A_383 : vector<512x128xf32>
    %mul3A_385 = arith.constant 5.000000e-01 : f32
    %mul3A_386 = vector.broadcast %mul3A_385 : f32 to vector<512x128xf32>
    %mul3A_387 = arith.mulf %mul3A_386, %tanh3A_384 : vector<512x128xf32>
    %add3A_388 = arith.constant 5.000000e-01 : f32
    %add3A_389 = vector.broadcast %add3A_388 : f32 to vector<512x128xf32>
    %add3A_390 = arith.addf %mul3A_387, %add3A_389 : vector<512x128xf32>
    %mul3A_391 = arith.mulf %add3A_367, %tanh3A_380 : vector<512x128xf32>
    %mul3A_392 = arith.mulf %add3A_390, %reshape3A_335 : vector<512x128xf32>
    %add3A_393 = arith.addf %mul3A_391, %mul3A_392 : vector<512x128xf32>
    %tanh3A_394 = math.tanh %add3A_393 : vector<512x128xf32>
    %mul3A_395 = arith.mulf %add3A_378, %tanh3A_394 : vector<512x128xf32>
    %reshape3A_396 = vector.shape_cast %mul3A_395 : vector<512x128xf32> to vector<32x16x128xf32>
    %swap3A_397 = arith.constant 31 : index
    %swap3A_398 = arith.constant 0 : index
    %swap3A_399 = arith.constant 0 : index
    %swap3A_400 = vector.load %arg6[%swap3A_397, %swap3A_398, %swap3A_399] : memref<512x16x128xf32, #tpu.memory_space<vmem>>, vector<32x16x128xf32>
    tpu.vector_store %arg6[%swap3A_397, %swap3A_398, %swap3A_399], %reshape3A_396 {strides = array<i32>} : memref<512x16x128xf32, #tpu.memory_space<vmem>>, vector<32x16x128xf32>,
    %reshape3A_401 = vector.shape_cast %add3A_393 : vector<512x128xf32> to vector<32x16x128xf32>
    %swap3A_402 = arith.constant 31 : index
    %swap3A_403 = arith.constant 0 : index
    %swap3A_404 = arith.constant 0 : index
    %swap3A_405 = vector.load %arg7[%swap3A_402, %swap3A_403, %swap3A_404] : memref<512x16x128xf32, #tpu.memory_space<vmem>>, vector<32x16x128xf32>
    tpu.vector_store %arg7[%swap3A_402, %swap3A_403, %swap3A_404], %reshape3A_401 {strides = array<i32>} : memref<512x16x128xf32, #tpu.memory_space<vmem>>, vector<32x16x128xf32>,
    %get3A_406 = arith.constant 31 : index
    %get3A_407 = arith.constant 0 : index
    %get3A_408 = arith.constant 0 : index
    %get3A_409 = vector.load %arg6[%get3A_406, %get3A_407, %get3A_408] : memref<512x16x128xf32, #tpu.memory_space<vmem>>, vector<32x16x128xf32>
    %reshape3A_410 = vector.shape_cast %get3A_409 : vector<32x16x128xf32> to vector<16x32x128xf32>
    %get3A_411 = arith.constant 31 : index
    %get3A_412 = arith.constant 0 : index
    %get3A_413 = arith.constant 0 : index
    %get3A_414 = vector.load %arg7[%get3A_411, %get3A_412, %get3A_413] : memref<512x16x128xf32, #tpu.memory_space<vmem>>, vector<32x16x128xf32>
    %reshape3A_415 = vector.shape_cast %get3A_414 : vector<32x16x128xf32> to vector<16x32x128xf32>
    %slice3A_416 = vector.extract_strided_slice %reshape3A_410 {offsets = [0, 0, 0], sizes = [16, 16, 128], strides = [1, 1, 1]} : vector<16x32x128xf32> to vector<16x16x128xf32>
    %slice3A_417 = vector.extract_strided_slice %reshape3A_410 {offsets = [0, 16, 0], sizes = [16, 16, 128], strides = [1, 1, 1]} : vector<16x32x128xf32> to vector<16x16x128xf32>
    %add3A_418 = arith.addf %slice3A_416, %slice3A_417 : vector<16x16x128xf32>
    %reshape3A_419 = vector.shape_cast %add3A_418 : vector<16x16x128xf32> to vector<256x128xf32>
    %slice3A_420 = vector.extract_strided_slice %reshape3A_415 {offsets = [0, 0, 0], sizes = [16, 16, 128], strides = [1, 1, 1]} : vector<16x32x128xf32> to vector<16x16x128xf32>
    %slice3A_421 = vector.extract_strided_slice %reshape3A_415 {offsets = [0, 16, 0], sizes = [16, 16, 128], strides = [1, 1, 1]} : vector<16x32x128xf32> to vector<16x16x128xf32>
    %add3A_422 = arith.addf %slice3A_420, %slice3A_421 : vector<16x16x128xf32>
    %reshape3A_423 = vector.shape_cast %add3A_422 : vector<16x16x128xf32> to vector<256x128xf32>
    %get3A_424 = arith.constant 15 : index
    %get3A_425 = arith.constant 0 : index
    %get3A_426 = arith.constant 0 : index
    %get3A_427 = vector.load %arg0[%get3A_424, %get3A_425, %get3A_426] : memref<512x16x128xf32, #tpu.memory_space<vmem>>, vector<16x16x128xf32>
    %reshape3A_428 = vector.shape_cast %get3A_427 : vector<16x16x128xf32> to vector<256x128xf32>
    %convert_element_type3A_429 = arith.truncf %reshape3A_428 : vector<256x128xf32> to vector<256x128xbf16>
    %convert_element_type3A_430 = arith.truncf %reshape3A_419 : vector<256x128xf32> to vector<256x128xbf16>
    %dot_general3A_431 = arith.constant dense<0.000000e+00> : vector<256x384xf32>
    %dot_general3A_432 = tpu.matmul %convert_element_type3A_429, %convert_element_type3A, %dot_general3A_431 {dimension_numbers = #tpu.dot_dimension_numbers<[1], [0], [0], [1], [0, 0, 1, 1], [], []>, transpose_lhs_hint = false} : vector<256x128xbf16>, vector<128x384xbf16>, vector<256x384xf32> -> vector<256x384xf32>
    %dot_general3A_433 = arith.constant dense<0.000000e+00> : vector<256x384xf32>
    %dot_general3A_434 = tpu.matmul %convert_element_type3A_430, %convert_element_type3A_5, %dot_general3A_433 {dimension_numbers = #tpu.dot_dimension_numbers<[1], [0], [0], [1], [0, 0, 1, 1], [], []>, transpose_lhs_hint = false} : vector<256x128xbf16>, vector<128x384xbf16>, vector<256x384xf32> -> vector<256x384xf32>
    %add3A_435 = arith.addf %dot_general3A_432, %dot_general3A_434 : vector<256x384xf32>
    %add3A_436 = vector.broadcast %get3A_16 : vector<1x384xf32> to vector<256x384xf32>
    %add3A_437 = arith.addf %add3A_435, %add3A_436 : vector<256x384xf32>
    %dot_general3A_438 = arith.constant dense<0.000000e+00> : vector<256x128xf32>
    %dot_general3A_439 = tpu.matmul %convert_element_type3A_429, %convert_element_type3A_9, %dot_general3A_438 {dimension_numbers = #tpu.dot_dimension_numbers<[1], [0], [0], [1], [0, 0, 1, 1], [], []>, transpose_lhs_hint = false} : vector<256x128xbf16>, vector<128x128xbf16>, vector<256x128xf32> -> vector<256x128xf32>
    %dot_general3A_440 = arith.constant dense<0.000000e+00> : vector<256x128xf32>
    %dot_general3A_441 = tpu.matmul %convert_element_type3A_430, %convert_element_type3A_13, %dot_general3A_440 {dimension_numbers = #tpu.dot_dimension_numbers<[1], [0], [0], [1], [0, 0, 1, 1], [], []>, transpose_lhs_hint = false} : vector<256x128xbf16>, vector<128x128xbf16>, vector<256x128xf32> -> vector<256x128xf32>
    %add3A_442 = arith.addf %dot_general3A_439, %dot_general3A_441 : vector<256x128xf32>
    %add3A_443 = vector.broadcast %get3A_19 : vector<1x128xf32> to vector<256x128xf32>
    %add3A_444 = arith.addf %add3A_442, %add3A_443 : vector<256x128xf32>
    %slice3A_445 = vector.extract_strided_slice %add3A_437 {offsets = [0, 0], sizes = [256, 128], strides = [1, 1]} : vector<256x384xf32> to vector<256x128xf32>
    %mul3A_446 = arith.constant 5.000000e-01 : f32
    %mul3A_447 = vector.broadcast %mul3A_446 : f32 to vector<256x128xf32>
    %mul3A_448 = arith.mulf %mul3A_447, %slice3A_445 : vector<256x128xf32>
    %tanh3A_449 = math.tanh %mul3A_448 : vector<256x128xf32>
    %mul3A_450 = arith.constant 5.000000e-01 : f32
    %mul3A_451 = vector.broadcast %mul3A_450 : f32 to vector<256x128xf32>
    %mul3A_452 = arith.mulf %mul3A_451, %tanh3A_449 : vector<256x128xf32>
    %add3A_453 = arith.constant 5.000000e-01 : f32
    %add3A_454 = vector.broadcast %add3A_453 : f32 to vector<256x128xf32>
    %add3A_455 = arith.addf %mul3A_452, %add3A_454 : vector<256x128xf32>
    %slice3A_456 = vector.extract_strided_slice %add3A_437 {offsets = [0, 128], sizes = [256, 128], strides = [1, 1]} : vector<256x384xf32> to vector<256x128xf32>
    %mul3A_457 = arith.constant 5.000000e-01 : f32
    %mul3A_458 = vector.broadcast %mul3A_457 : f32 to vector<256x128xf32>
    %mul3A_459 = arith.mulf %mul3A_458, %slice3A_456 : vector<256x128xf32>
    %tanh3A_460 = math.tanh %mul3A_459 : vector<256x128xf32>
    %mul3A_461 = arith.constant 5.000000e-01 : f32
    %mul3A_462 = vector.broadcast %mul3A_461 : f32 to vector<256x128xf32>
    %mul3A_463 = arith.mulf %mul3A_462, %tanh3A_460 : vector<256x128xf32>
    %add3A_464 = arith.constant 5.000000e-01 : f32
    %add3A_465 = vector.broadcast %add3A_464 : f32 to vector<256x128xf32>
    %add3A_466 = arith.addf %mul3A_463, %add3A_465 : vector<256x128xf32>
    %slice3A_467 = vector.extract_strided_slice %add3A_437 {offsets = [0, 256], sizes = [256, 128], strides = [1, 1]} : vector<256x384xf32> to vector<256x128xf32>
    %tanh3A_468 = math.tanh %slice3A_467 : vector<256x128xf32>
    %mul3A_469 = arith.constant 5.000000e-01 : f32
    %mul3A_470 = vector.broadcast %mul3A_469 : f32 to vector<256x128xf32>
    %mul3A_471 = arith.mulf %mul3A_470, %add3A_444 : vector<256x128xf32>
    %tanh3A_472 = math.tanh %mul3A_471 : vector<256x128xf32>
    %mul3A_473 = arith.constant 5.000000e-01 : f32
    %mul3A_474 = vector.broadcast %mul3A_473 : f32 to vector<256x128xf32>
    %mul3A_475 = arith.mulf %mul3A_474, %tanh3A_472 : vector<256x128xf32>
    %add3A_476 = arith.constant 5.000000e-01 : f32
    %add3A_477 = vector.broadcast %add3A_476 : f32 to vector<256x128xf32>
    %add3A_478 = arith.addf %mul3A_475, %add3A_477 : vector<256x128xf32>
    %mul3A_479 = arith.mulf %add3A_455, %tanh3A_468 : vector<256x128xf32>
    %mul3A_480 = arith.mulf %add3A_478, %reshape3A_423 : vector<256x128xf32>
    %add3A_481 = arith.addf %mul3A_479, %mul3A_480 : vector<256x128xf32>
    %tanh3A_482 = math.tanh %add3A_481 : vector<256x128xf32>
    %mul3A_483 = arith.mulf %add3A_466, %tanh3A_482 : vector<256x128xf32>
    %reshape3A_484 = vector.shape_cast %mul3A_483 : vector<256x128xf32> to vector<16x16x128xf32>
    %swap3A_485 = arith.constant 15 : index
    %swap3A_486 = arith.constant 0 : index
    %swap3A_487 = arith.constant 0 : index
    %swap3A_488 = vector.load %arg6[%swap3A_485, %swap3A_486, %swap3A_487] : memref<512x16x128xf32, #tpu.memory_space<vmem>>, vector<16x16x128xf32>
    tpu.vector_store %arg6[%swap3A_485, %swap3A_486, %swap3A_487], %reshape3A_484 {strides = array<i32>} : memref<512x16x128xf32, #tpu.memory_space<vmem>>, vector<16x16x128xf32>,
    %reshape3A_489 = vector.shape_cast %add3A_481 : vector<256x128xf32> to vector<16x16x128xf32>
    %swap3A_490 = arith.constant 15 : index
    %swap3A_491 = arith.constant 0 : index
    %swap3A_492 = arith.constant 0 : index
    %swap3A_493 = vector.load %arg7[%swap3A_490, %swap3A_491, %swap3A_492] : memref<512x16x128xf32, #tpu.memory_space<vmem>>, vector<16x16x128xf32>
    tpu.vector_store %arg7[%swap3A_490, %swap3A_491, %swap3A_492], %reshape3A_489 {strides = array<i32>} : memref<512x16x128xf32, #tpu.memory_space<vmem>>, vector<16x16x128xf32>,
    %get3A_494 = arith.constant 15 : index
    %get3A_495 = arith.constant 0 : index
    %get3A_496 = arith.constant 0 : index
    %get3A_497 = vector.load %arg6[%get3A_494, %get3A_495, %get3A_496] : memref<512x16x128xf32, #tpu.memory_space<vmem>>, vector<16x16x128xf32>
    %reshape3A_498 = vector.shape_cast %get3A_497 : vector<16x16x128xf32> to vector<8x32x128xf32>
    %get3A_499 = arith.constant 15 : index
    %get3A_500 = arith.constant 0 : index
    %get3A_501 = arith.constant 0 : index
    %get3A_502 = vector.load %arg7[%get3A_499, %get3A_500, %get3A_501] : memref<512x16x128xf32, #tpu.memory_space<vmem>>, vector<16x16x128xf32>
    %reshape3A_503 = vector.shape_cast %get3A_502 : vector<16x16x128xf32> to vector<8x32x128xf32>
    %slice3A_504 = vector.extract_strided_slice %reshape3A_498 {offsets = [0, 0, 0], sizes = [8, 16, 128], strides = [1, 1, 1]} : vector<8x32x128xf32> to vector<8x16x128xf32>
    %slice3A_505 = vector.extract_strided_slice %reshape3A_498 {offsets = [0, 16, 0], sizes = [8, 16, 128], strides = [1, 1, 1]} : vector<8x32x128xf32> to vector<8x16x128xf32>
    %add3A_506 = arith.addf %slice3A_504, %slice3A_505 : vector<8x16x128xf32>
    %reshape3A_507 = vector.shape_cast %add3A_506 : vector<8x16x128xf32> to vector<128x128xf32>
    %slice3A_508 = vector.extract_strided_slice %reshape3A_503 {offsets = [0, 0, 0], sizes = [8, 16, 128], strides = [1, 1, 1]} : vector<8x32x128xf32> to vector<8x16x128xf32>
    %slice3A_509 = vector.extract_strided_slice %reshape3A_503 {offsets = [0, 16, 0], sizes = [8, 16, 128], strides = [1, 1, 1]} : vector<8x32x128xf32> to vector<8x16x128xf32>
    %add3A_510 = arith.addf %slice3A_508, %slice3A_509 : vector<8x16x128xf32>
    %reshape3A_511 = vector.shape_cast %add3A_510 : vector<8x16x128xf32> to vector<128x128xf32>
    %get3A_512 = arith.constant 7 : index
    %get3A_513 = arith.constant 0 : index
    %get3A_514 = arith.constant 0 : index
    %get3A_515 = vector.load %arg0[%get3A_512, %get3A_513, %get3A_514] : memref<512x16x128xf32, #tpu.memory_space<vmem>>, vector<8x16x128xf32>
    %reshape3A_516 = vector.shape_cast %get3A_515 : vector<8x16x128xf32> to vector<128x128xf32>
    %convert_element_type3A_517 = arith.truncf %reshape3A_516 : vector<128x128xf32> to vector<128x128xbf16>
    %convert_element_type3A_518 = arith.truncf %reshape3A_507 : vector<128x128xf32> to vector<128x128xbf16>
    %dot_general3A_519 = arith.constant dense<0.000000e+00> : vector<128x384xf32>
    %dot_general3A_520 = tpu.matmul %convert_element_type3A_517, %convert_element_type3A, %dot_general3A_519 {dimension_numbers = #tpu.dot_dimension_numbers<[1], [0], [0], [1], [0, 0, 1, 1], [], []>, transpose_lhs_hint = false} : vector<128x128xbf16>, vector<128x384xbf16>, vector<128x384xf32> -> vector<128x384xf32>
    %dot_general3A_521 = arith.constant dense<0.000000e+00> : vector<128x384xf32>
    %dot_general3A_522 = tpu.matmul %convert_element_type3A_518, %convert_element_type3A_5, %dot_general3A_521 {dimension_numbers = #tpu.dot_dimension_numbers<[1], [0], [0], [1], [0, 0, 1, 1], [], []>, transpose_lhs_hint = false} : vector<128x128xbf16>, vector<128x384xbf16>, vector<128x384xf32> -> vector<128x384xf32>
    %add3A_523 = arith.addf %dot_general3A_520, %dot_general3A_522 : vector<128x384xf32>
    %add3A_524 = vector.broadcast %get3A_16 : vector<1x384xf32> to vector<128x384xf32>
    %add3A_525 = arith.addf %add3A_523, %add3A_524 : vector<128x384xf32>
    %dot_general3A_526 = arith.constant dense<0.000000e+00> : vector<128x128xf32>
    %dot_general3A_527 = tpu.matmul %convert_element_type3A_517, %convert_element_type3A_9, %dot_general3A_526 {dimension_numbers = #tpu.dot_dimension_numbers<[1], [0], [0], [1], [0, 0, 1, 1], [], []>, transpose_lhs_hint = false} : vector<128x128xbf16>, vector<128x128xbf16>, vector<128x128xf32> -> vector<128x128xf32>
    %dot_general3A_528 = arith.constant dense<0.000000e+00> : vector<128x128xf32>
    %dot_general3A_529 = tpu.matmul %convert_element_type3A_518, %convert_element_type3A_13, %dot_general3A_528 {dimension_numbers = #tpu.dot_dimension_numbers<[1], [0], [0], [1], [0, 0, 1, 1], [], []>, transpose_lhs_hint = false} : vector<128x128xbf16>, vector<128x128xbf16>, vector<128x128xf32> -> vector<128x128xf32>
    %add3A_530 = arith.addf %dot_general3A_527, %dot_general3A_529 : vector<128x128xf32>
    %add3A_531 = vector.broadcast %get3A_19 : vector<1x128xf32> to vector<128x128xf32>
    %add3A_532 = arith.addf %add3A_530, %add3A_531 : vector<128x128xf32>
    %slice3A_533 = vector.extract_strided_slice %add3A_525 {offsets = [0, 0], sizes = [128, 128], strides = [1, 1]} : vector<128x384xf32> to vector<128x128xf32>
    %mul3A_534 = arith.constant 5.000000e-01 : f32
    %mul3A_535 = vector.broadcast %mul3A_534 : f32 to vector<128x128xf32>
    %mul3A_536 = arith.mulf %mul3A_535, %slice3A_533 : vector<128x128xf32>
    %tanh3A_537 = math.tanh %mul3A_536 : vector<128x128xf32>
    %mul3A_538 = arith.constant 5.000000e-01 : f32
    %mul3A_539 = vector.broadcast %mul3A_538 : f32 to vector<128x128xf32>
    %mul3A_540 = arith.mulf %mul3A_539, %tanh3A_537 : vector<128x128xf32>
    %add3A_541 = arith.constant 5.000000e-01 : f32
    %add3A_542 = vector.broadcast %add3A_541 : f32 to vector<128x128xf32>
    %add3A_543 = arith.addf %mul3A_540, %add3A_542 : vector<128x128xf32>
    %slice3A_544 = vector.extract_strided_slice %add3A_525 {offsets = [0, 128], sizes = [128, 128], strides = [1, 1]} : vector<128x384xf32> to vector<128x128xf32>
    %mul3A_545 = arith.constant 5.000000e-01 : f32
    %mul3A_546 = vector.broadcast %mul3A_545 : f32 to vector<128x128xf32>
    %mul3A_547 = arith.mulf %mul3A_546, %slice3A_544 : vector<128x128xf32>
    %tanh3A_548 = math.tanh %mul3A_547 : vector<128x128xf32>
    %mul3A_549 = arith.constant 5.000000e-01 : f32
    %mul3A_550 = vector.broadcast %mul3A_549 : f32 to vector<128x128xf32>
    %mul3A_551 = arith.mulf %mul3A_550, %tanh3A_548 : vector<128x128xf32>
    %add3A_552 = arith.constant 5.000000e-01 : f32
    %add3A_553 = vector.broadcast %add3A_552 : f32 to vector<128x128xf32>
    %add3A_554 = arith.addf %mul3A_551, %add3A_553 : vector<128x128xf32>
    %slice3A_555 = vector.extract_strided_slice %add3A_525 {offsets = [0, 256], sizes = [128, 128], strides = [1, 1]} : vector<128x384xf32> to vector<128x128xf32>
    %tanh3A_556 = math.tanh %slice3A_555 : vector<128x128xf32>
    %mul3A_557 = arith.constant 5.000000e-01 : f32
    %mul3A_558 = vector.broadcast %mul3A_557 : f32 to vector<128x128xf32>
    %mul3A_559 = arith.mulf %mul3A_558, %add3A_532 : vector<128x128xf32>
    %tanh3A_560 = math.tanh %mul3A_559 : vector<128x128xf32>
    %mul3A_561 = arith.constant 5.000000e-01 : f32
    %mul3A_562 = vector.broadcast %mul3A_561 : f32 to vector<128x128xf32>
    %mul3A_563 = arith.mulf %mul3A_562, %tanh3A_560 : vector<128x128xf32>
    %add3A_564 = arith.constant 5.000000e-01 : f32
    %add3A_565 = vector.broadcast %add3A_564 : f32 to vector<128x128xf32>
    %add3A_566 = arith.addf %mul3A_563, %add3A_565 : vector<128x128xf32>
    %mul3A_567 = arith.mulf %add3A_543, %tanh3A_556 : vector<128x128xf32>
    %mul3A_568 = arith.mulf %add3A_566, %reshape3A_511 : vector<128x128xf32>
    %add3A_569 = arith.addf %mul3A_567, %mul3A_568 : vector<128x128xf32>
    %tanh3A_570 = math.tanh %add3A_569 : vector<128x128xf32>
    %mul3A_571 = arith.mulf %add3A_554, %tanh3A_570 : vector<128x128xf32>
    %reshape3A_572 = vector.shape_cast %mul3A_571 : vector<128x128xf32> to vector<8x16x128xf32>
    %swap3A_573 = arith.constant 7 : index
    %swap3A_574 = arith.constant 0 : index
    %swap3A_575 = arith.constant 0 : index
    %swap3A_576 = vector.load %arg6[%swap3A_573, %swap3A_574, %swap3A_575] : memref<512x16x128xf32, #tpu.memory_space<vmem>>, vector<8x16x128xf32>
    tpu.vector_store %arg6[%swap3A_573, %swap3A_574, %swap3A_575], %reshape3A_572 {strides = array<i32>} : memref<512x16x128xf32, #tpu.memory_space<vmem>>, vector<8x16x128xf32>,
    %reshape3A_577 = vector.shape_cast %add3A_569 : vector<128x128xf32> to vector<8x16x128xf32>
    %swap3A_578 = arith.constant 7 : index
    %swap3A_579 = arith.constant 0 : index
    %swap3A_580 = arith.constant 0 : index
    %swap3A_581 = vector.load %arg7[%swap3A_578, %swap3A_579, %swap3A_580] : memref<512x16x128xf32, #tpu.memory_space<vmem>>, vector<8x16x128xf32>
    tpu.vector_store %arg7[%swap3A_578, %swap3A_579, %swap3A_580], %reshape3A_577 {strides = array<i32>} : memref<512x16x128xf32, #tpu.memory_space<vmem>>, vector<8x16x128xf32>,
    %get3A_582 = arith.constant 7 : index
    %get3A_583 = arith.constant 0 : index
    %get3A_584 = arith.constant 0 : index
    %get3A_585 = vector.load %arg6[%get3A_582, %get3A_583, %get3A_584] : memref<512x16x128xf32, #tpu.memory_space<vmem>>, vector<8x16x128xf32>
    %reshape3A_586 = vector.shape_cast %get3A_585 : vector<8x16x128xf32> to vector<4x32x128xf32>
    %get3A_587 = arith.constant 7 : index
    %get3A_588 = arith.constant 0 : index
    %get3A_589 = arith.constant 0 : index
    %get3A_590 = vector.load %arg7[%get3A_587, %get3A_588, %get3A_589] : memref<512x16x128xf32, #tpu.memory_space<vmem>>, vector<8x16x128xf32>
    %reshape3A_591 = vector.shape_cast %get3A_590 : vector<8x16x128xf32> to vector<4x32x128xf32>
    %slice3A_592 = vector.extract_strided_slice %reshape3A_586 {offsets = [0, 0, 0], sizes = [4, 16, 128], strides = [1, 1, 1]} : vector<4x32x128xf32> to vector<4x16x128xf32>
    %slice3A_593 = vector.extract_strided_slice %reshape3A_586 {offsets = [0, 16, 0], sizes = [4, 16, 128], strides = [1, 1, 1]} : vector<4x32x128xf32> to vector<4x16x128xf32>
    %add3A_594 = arith.addf %slice3A_592, %slice3A_593 : vector<4x16x128xf32>
    %reshape3A_595 = vector.shape_cast %add3A_594 : vector<4x16x128xf32> to vector<64x128xf32>
    %slice3A_596 = vector.extract_strided_slice %reshape3A_591 {offsets = [0, 0, 0], sizes = [4, 16, 128], strides = [1, 1, 1]} : vector<4x32x128xf32> to vector<4x16x128xf32>
    %slice3A_597 = vector.extract_strided_slice %reshape3A_591 {offsets = [0, 16, 0], sizes = [4, 16, 128], strides = [1, 1, 1]} : vector<4x32x128xf32> to vector<4x16x128xf32>
    %add3A_598 = arith.addf %slice3A_596, %slice3A_597 : vector<4x16x128xf32>
    %reshape3A_599 = vector.shape_cast %add3A_598 : vector<4x16x128xf32> to vector<64x128xf32>
    %get3A_600 = arith.constant 3 : index
    %get3A_601 = arith.constant 0 : index
    %get3A_602 = arith.constant 0 : index
    %get3A_603 = vector.load %arg0[%get3A_600, %get3A_601, %get3A_602] : memref<512x16x128xf32, #tpu.memory_space<vmem>>, vector<4x16x128xf32>
    %reshape3A_604 = vector.shape_cast %get3A_603 : vector<4x16x128xf32> to vector<64x128xf32>
    %convert_element_type3A_605 = arith.truncf %reshape3A_604 : vector<64x128xf32> to vector<64x128xbf16>
    %convert_element_type3A_606 = arith.truncf %reshape3A_595 : vector<64x128xf32> to vector<64x128xbf16>
    %dot_general3A_607 = arith.constant dense<0.000000e+00> : vector<64x384xf32>
    %dot_general3A_608 = tpu.matmul %convert_element_type3A_605, %convert_element_type3A, %dot_general3A_607 {dimension_numbers = #tpu.dot_dimension_numbers<[1], [0], [0], [1], [0, 0, 1, 1], [], []>, transpose_lhs_hint = false} : vector<64x128xbf16>, vector<128x384xbf16>, vector<64x384xf32> -> vector<64x384xf32>
    %dot_general3A_609 = arith.constant dense<0.000000e+00> : vector<64x384xf32>
    %dot_general3A_610 = tpu.matmul %convert_element_type3A_606, %convert_element_type3A_5, %dot_general3A_609 {dimension_numbers = #tpu.dot_dimension_numbers<[1], [0], [0], [1], [0, 0, 1, 1], [], []>, transpose_lhs_hint = false} : vector<64x128xbf16>, vector<128x384xbf16>, vector<64x384xf32> -> vector<64x384xf32>
    %add3A_611 = arith.addf %dot_general3A_608, %dot_general3A_610 : vector<64x384xf32>
    %add3A_612 = vector.broadcast %get3A_16 : vector<1x384xf32> to vector<64x384xf32>
    %add3A_613 = arith.addf %add3A_611, %add3A_612 : vector<64x384xf32>
    %dot_general3A_614 = arith.constant dense<0.000000e+00> : vector<64x128xf32>
    %dot_general3A_615 = tpu.matmul %convert_element_type3A_605, %convert_element_type3A_9, %dot_general3A_614 {dimension_numbers = #tpu.dot_dimension_numbers<[1], [0], [0], [1], [0, 0, 1, 1], [], []>, transpose_lhs_hint = false} : vector<64x128xbf16>, vector<128x128xbf16>, vector<64x128xf32> -> vector<64x128xf32>
    %dot_general3A_616 = arith.constant dense<0.000000e+00> : vector<64x128xf32>
    %dot_general3A_617 = tpu.matmul %convert_element_type3A_606, %convert_element_type3A_13, %dot_general3A_616 {dimension_numbers = #tpu.dot_dimension_numbers<[1], [0], [0], [1], [0, 0, 1, 1], [], []>, transpose_lhs_hint = false} : vector<64x128xbf16>, vector<128x128xbf16>, vector<64x128xf32> -> vector<64x128xf32>
    %add3A_618 = arith.addf %dot_general3A_615, %dot_general3A_617 : vector<64x128xf32>
    %add3A_619 = vector.broadcast %get3A_19 : vector<1x128xf32> to vector<64x128xf32>
    %add3A_620 = arith.addf %add3A_618, %add3A_619 : vector<64x128xf32>
    %slice3A_621 = vector.extract_strided_slice %add3A_613 {offsets = [0, 0], sizes = [64, 128], strides = [1, 1]} : vector<64x384xf32> to vector<64x128xf32>
    %mul3A_622 = arith.constant 5.000000e-01 : f32
    %mul3A_623 = vector.broadcast %mul3A_622 : f32 to vector<64x128xf32>
    %mul3A_624 = arith.mulf %mul3A_623, %slice3A_621 : vector<64x128xf32>
    %tanh3A_625 = math.tanh %mul3A_624 : vector<64x128xf32>
    %mul3A_626 = arith.constant 5.000000e-01 : f32
    %mul3A_627 = vector.broadcast %mul3A_626 : f32 to vector<64x128xf32>
    %mul3A_628 = arith.mulf %mul3A_627, %tanh3A_625 : vector<64x128xf32>
    %add3A_629 = arith.constant 5.000000e-01 : f32
    %add3A_630 = vector.broadcast %add3A_629 : f32 to vector<64x128xf32>
    %add3A_631 = arith.addf %mul3A_628, %add3A_630 : vector<64x128xf32>
    %slice3A_632 = vector.extract_strided_slice %add3A_613 {offsets = [0, 128], sizes = [64, 128], strides = [1, 1]} : vector<64x384xf32> to vector<64x128xf32>
    %mul3A_633 = arith.constant 5.000000e-01 : f32
    %mul3A_634 = vector.broadcast %mul3A_633 : f32 to vector<64x128xf32>
    %mul3A_635 = arith.mulf %mul3A_634, %slice3A_632 : vector<64x128xf32>
    %tanh3A_636 = math.tanh %mul3A_635 : vector<64x128xf32>
    %mul3A_637 = arith.constant 5.000000e-01 : f32
    %mul3A_638 = vector.broadcast %mul3A_637 : f32 to vector<64x128xf32>
    %mul3A_639 = arith.mulf %mul3A_638, %tanh3A_636 : vector<64x128xf32>
    %add3A_640 = arith.constant 5.000000e-01 : f32
    %add3A_641 = vector.broadcast %add3A_640 : f32 to vector<64x128xf32>
    %add3A_642 = arith.addf %mul3A_639, %add3A_641 : vector<64x128xf32>
    %slice3A_643 = vector.extract_strided_slice %add3A_613 {offsets = [0, 256], sizes = [64, 128], strides = [1, 1]} : vector<64x384xf32> to vector<64x128xf32>
    %tanh3A_644 = math.tanh %slice3A_643 : vector<64x128xf32>
    %mul3A_645 = arith.constant 5.000000e-01 : f32
    %mul3A_646 = vector.broadcast %mul3A_645 : f32 to vector<64x128xf32>
    %mul3A_647 = arith.mulf %mul3A_646, %add3A_620 : vector<64x128xf32>
    %tanh3A_648 = math.tanh %mul3A_647 : vector<64x128xf32>
    %mul3A_649 = arith.constant 5.000000e-01 : f32
    %mul3A_650 = vector.broadcast %mul3A_649 : f32 to vector<64x128xf32>
    %mul3A_651 = arith.mulf %mul3A_650, %tanh3A_648 : vector<64x128xf32>
    %add3A_652 = arith.constant 5.000000e-01 : f32
    %add3A_653 = vector.broadcast %add3A_652 : f32 to vector<64x128xf32>
    %add3A_654 = arith.addf %mul3A_651, %add3A_653 : vector<64x128xf32>
    %mul3A_655 = arith.mulf %add3A_631, %tanh3A_644 : vector<64x128xf32>
    %mul3A_656 = arith.mulf %add3A_654, %reshape3A_599 : vector<64x128xf32>
    %add3A_657 = arith.addf %mul3A_655, %mul3A_656 : vector<64x128xf32>
    %tanh3A_658 = math.tanh %add3A_657 : vector<64x128xf32>
    %mul3A_659 = arith.mulf %add3A_642, %tanh3A_658 : vector<64x128xf32>
    %reshape3A_660 = vector.shape_cast %mul3A_659 : vector<64x128xf32> to vector<4x16x128xf32>
    %swap3A_661 = arith.constant 3 : index
    %swap3A_662 = arith.constant 0 : index
    %swap3A_663 = arith.constant 0 : index
    %swap3A_664 = vector.load %arg6[%swap3A_661, %swap3A_662, %swap3A_663] : memref<512x16x128xf32, #tpu.memory_space<vmem>>, vector<4x16x128xf32>
    tpu.vector_store %arg6[%swap3A_661, %swap3A_662, %swap3A_663], %reshape3A_660 {strides = array<i32>} : memref<512x16x128xf32, #tpu.memory_space<vmem>>, vector<4x16x128xf32>,
    %reshape3A_665 = vector.shape_cast %add3A_657 : vector<64x128xf32> to vector<4x16x128xf32>
    %swap3A_666 = arith.constant 3 : index
    %swap3A_667 = arith.constant 0 : index
    %swap3A_668 = arith.constant 0 : index
    %swap3A_669 = vector.load %arg7[%swap3A_666, %swap3A_667, %swap3A_668] : memref<512x16x128xf32, #tpu.memory_space<vmem>>, vector<4x16x128xf32>
    tpu.vector_store %arg7[%swap3A_666, %swap3A_667, %swap3A_668], %reshape3A_665 {strides = array<i32>} : memref<512x16x128xf32, #tpu.memory_space<vmem>>, vector<4x16x128xf32>,
    %get3A_670 = arith.constant 3 : index
    %get3A_671 = arith.constant 0 : index
    %get3A_672 = arith.constant 0 : index
    %get3A_673 = vector.load %arg6[%get3A_670, %get3A_671, %get3A_672] : memref<512x16x128xf32, #tpu.memory_space<vmem>>, vector<4x16x128xf32>
    %reshape3A_674 = vector.shape_cast %get3A_673 : vector<4x16x128xf32> to vector<2x32x128xf32>
    %get3A_675 = arith.constant 3 : index
    %get3A_676 = arith.constant 0 : index
    %get3A_677 = arith.constant 0 : index
    %get3A_678 = vector.load %arg7[%get3A_675, %get3A_676, %get3A_677] : memref<512x16x128xf32, #tpu.memory_space<vmem>>, vector<4x16x128xf32>
    %reshape3A_679 = vector.shape_cast %get3A_678 : vector<4x16x128xf32> to vector<2x32x128xf32>
    %slice3A_680 = vector.extract_strided_slice %reshape3A_674 {offsets = [0, 0, 0], sizes = [2, 16, 128], strides = [1, 1, 1]} : vector<2x32x128xf32> to vector<2x16x128xf32>
    %slice3A_681 = vector.extract_strided_slice %reshape3A_674 {offsets = [0, 16, 0], sizes = [2, 16, 128], strides = [1, 1, 1]} : vector<2x32x128xf32> to vector<2x16x128xf32>
    %add3A_682 = arith.addf %slice3A_680, %slice3A_681 : vector<2x16x128xf32>
    %reshape3A_683 = vector.shape_cast %add3A_682 : vector<2x16x128xf32> to vector<32x128xf32>
    %slice3A_684 = vector.extract_strided_slice %reshape3A_679 {offsets = [0, 0, 0], sizes = [2, 16, 128], strides = [1, 1, 1]} : vector<2x32x128xf32> to vector<2x16x128xf32>
    %slice3A_685 = vector.extract_strided_slice %reshape3A_679 {offsets = [0, 16, 0], sizes = [2, 16, 128], strides = [1, 1, 1]} : vector<2x32x128xf32> to vector<2x16x128xf32>
    %add3A_686 = arith.addf %slice3A_684, %slice3A_685 : vector<2x16x128xf32>
    %reshape3A_687 = vector.shape_cast %add3A_686 : vector<2x16x128xf32> to vector<32x128xf32>
    %get3A_688 = arith.constant 1 : index
    %get3A_689 = arith.constant 0 : index
    %get3A_690 = arith.constant 0 : index
    %get3A_691 = vector.load %arg0[%get3A_688, %get3A_689, %get3A_690] : memref<512x16x128xf32, #tpu.memory_space<vmem>>, vector<2x16x128xf32>
    %reshape3A_692 = vector.shape_cast %get3A_691 : vector<2x16x128xf32> to vector<32x128xf32>
    %convert_element_type3A_693 = arith.truncf %reshape3A_692 : vector<32x128xf32> to vector<32x128xbf16>
    %convert_element_type3A_694 = arith.truncf %reshape3A_683 : vector<32x128xf32> to vector<32x128xbf16>
    %dot_general3A_695 = arith.constant dense<0.000000e+00> : vector<32x384xf32>
    %dot_general3A_696 = tpu.matmul %convert_element_type3A_693, %convert_element_type3A, %dot_general3A_695 {dimension_numbers = #tpu.dot_dimension_numbers<[1], [0], [0], [1], [0, 0, 1, 1], [], []>, transpose_lhs_hint = false} : vector<32x128xbf16>, vector<128x384xbf16>, vector<32x384xf32> -> vector<32x384xf32>
    %dot_general3A_697 = arith.constant dense<0.000000e+00> : vector<32x384xf32>
    %dot_general3A_698 = tpu.matmul %convert_element_type3A_694, %convert_element_type3A_5, %dot_general3A_697 {dimension_numbers = #tpu.dot_dimension_numbers<[1], [0], [0], [1], [0, 0, 1, 1], [], []>, transpose_lhs_hint = false} : vector<32x128xbf16>, vector<128x384xbf16>, vector<32x384xf32> -> vector<32x384xf32>
    %add3A_699 = arith.addf %dot_general3A_696, %dot_general3A_698 : vector<32x384xf32>
    %add3A_700 = vector.broadcast %get3A_16 : vector<1x384xf32> to vector<32x384xf32>
    %add3A_701 = arith.addf %add3A_699, %add3A_700 : vector<32x384xf32>
    %dot_general3A_702 = arith.constant dense<0.000000e+00> : vector<32x128xf32>
    %dot_general3A_703 = tpu.matmul %convert_element_type3A_693, %convert_element_type3A_9, %dot_general3A_702 {dimension_numbers = #tpu.dot_dimension_numbers<[1], [0], [0], [1], [0, 0, 1, 1], [], []>, transpose_lhs_hint = false} : vector<32x128xbf16>, vector<128x128xbf16>, vector<32x128xf32> -> vector<32x128xf32>
    %dot_general3A_704 = arith.constant dense<0.000000e+00> : vector<32x128xf32>
    %dot_general3A_705 = tpu.matmul %convert_element_type3A_694, %convert_element_type3A_13, %dot_general3A_704 {dimension_numbers = #tpu.dot_dimension_numbers<[1], [0], [0], [1], [0, 0, 1, 1], [], []>, transpose_lhs_hint = false} : vector<32x128xbf16>, vector<128x128xbf16>, vector<32x128xf32> -> vector<32x128xf32>
    %add3A_706 = arith.addf %dot_general3A_703, %dot_general3A_705 : vector<32x128xf32>
    %add3A_707 = vector.broadcast %get3A_19 : vector<1x128xf32> to vector<32x128xf32>
    %add3A_708 = arith.addf %add3A_706, %add3A_707 : vector<32x128xf32>
    %slice3A_709 = vector.extract_strided_slice %add3A_701 {offsets = [0, 0], sizes = [32, 128], strides = [1, 1]} : vector<32x384xf32> to vector<32x128xf32>
    %mul3A_710 = arith.constant 5.000000e-01 : f32
    %mul3A_711 = vector.broadcast %mul3A_710 : f32 to vector<32x128xf32>
    %mul3A_712 = arith.mulf %mul3A_711, %slice3A_709 : vector<32x128xf32>
    %tanh3A_713 = math.tanh %mul3A_712 : vector<32x128xf32>
    %mul3A_714 = arith.constant 5.000000e-01 : f32
    %mul3A_715 = vector.broadcast %mul3A_714 : f32 to vector<32x128xf32>
    %mul3A_716 = arith.mulf %mul3A_715, %tanh3A_713 : vector<32x128xf32>
    %add3A_717 = arith.constant 5.000000e-01 : f32
    %add3A_718 = vector.broadcast %add3A_717 : f32 to vector<32x128xf32>
    %add3A_719 = arith.addf %mul3A_716, %add3A_718 : vector<32x128xf32>
    %slice3A_720 = vector.extract_strided_slice %add3A_701 {offsets = [0, 128], sizes = [32, 128], strides = [1, 1]} : vector<32x384xf32> to vector<32x128xf32>
    %mul3A_721 = arith.constant 5.000000e-01 : f32
    %mul3A_722 = vector.broadcast %mul3A_721 : f32 to vector<32x128xf32>
    %mul3A_723 = arith.mulf %mul3A_722, %slice3A_720 : vector<32x128xf32>
    %tanh3A_724 = math.tanh %mul3A_723 : vector<32x128xf32>
    %mul3A_725 = arith.constant 5.000000e-01 : f32
    %mul3A_726 = vector.broadcast %mul3A_725 : f32 to vector<32x128xf32>
    %mul3A_727 = arith.mulf %mul3A_726, %tanh3A_724 : vector<32x128xf32>
    %add3A_728 = arith.constant 5.000000e-01 : f32
    %add3A_729 = vector.broadcast %add3A_728 : f32 to vector<32x128xf32>
    %add3A_730 = arith.addf %mul3A_727, %add3A_729 : vector<32x128xf32>
    %slice3A_731 = vector.extract_strided_slice %add3A_701 {offsets = [0, 256], sizes = [32, 128], strides = [1, 1]} : vector<32x384xf32> to vector<32x128xf32>
    %tanh3A_732 = math.tanh %slice3A_731 : vector<32x128xf32>
    %mul3A_733 = arith.constant 5.000000e-01 : f32
    %mul3A_734 = vector.broadcast %mul3A_733 : f32 to vector<32x128xf32>
    %mul3A_735 = arith.mulf %mul3A_734, %add3A_708 : vector<32x128xf32>
    %tanh3A_736 = math.tanh %mul3A_735 : vector<32x128xf32>
    %mul3A_737 = arith.constant 5.000000e-01 : f32
    %mul3A_738 = vector.broadcast %mul3A_737 : f32 to vector<32x128xf32>
    %mul3A_739 = arith.mulf %mul3A_738, %tanh3A_736 : vector<32x128xf32>
    %add3A_740 = arith.constant 5.000000e-01 : f32
    %add3A_741 = vector.broadcast %add3A_740 : f32 to vector<32x128xf32>
    %add3A_742 = arith.addf %mul3A_739, %add3A_741 : vector<32x128xf32>
    %mul3A_743 = arith.mulf %add3A_719, %tanh3A_732 : vector<32x128xf32>
    %mul3A_744 = arith.mulf %add3A_742, %reshape3A_687 : vector<32x128xf32>
    %add3A_745 = arith.addf %mul3A_743, %mul3A_744 : vector<32x128xf32>
    %tanh3A_746 = math.tanh %add3A_745 : vector<32x128xf32>
    %mul3A_747 = arith.mulf %add3A_730, %tanh3A_746 : vector<32x128xf32>
    %reshape3A_748 = vector.shape_cast %mul3A_747 : vector<32x128xf32> to vector<2x16x128xf32>
    %swap3A_749 = arith.constant 1 : index
    %swap3A_750 = arith.constant 0 : index
    %swap3A_751 = arith.constant 0 : index
    %swap3A_752 = vector.load %arg6[%swap3A_749, %swap3A_750, %swap3A_751] : memref<512x16x128xf32, #tpu.memory_space<vmem>>, vector<2x16x128xf32>
    tpu.vector_store %arg6[%swap3A_749, %swap3A_750, %swap3A_751], %reshape3A_748 {strides = array<i32>} : memref<512x16x128xf32, #tpu.memory_space<vmem>>, vector<2x16x128xf32>,
    %reshape3A_753 = vector.shape_cast %add3A_745 : vector<32x128xf32> to vector<2x16x128xf32>
    %swap3A_754 = arith.constant 1 : index
    %swap3A_755 = arith.constant 0 : index
    %swap3A_756 = arith.constant 0 : index
    %swap3A_757 = vector.load %arg7[%swap3A_754, %swap3A_755, %swap3A_756] : memref<512x16x128xf32, #tpu.memory_space<vmem>>, vector<2x16x128xf32>
    tpu.vector_store %arg7[%swap3A_754, %swap3A_755, %swap3A_756], %reshape3A_753 {strides = array<i32>} : memref<512x16x128xf32, #tpu.memory_space<vmem>>, vector<2x16x128xf32>,
    %get3A_758 = arith.constant 0 : index
    %get3A_759 = arith.constant 0 : index
    %get3A_760 = arith.constant 0 : index
    %get3A_761 = vector.load %arg0[%get3A_758, %get3A_759, %get3A_760] : memref<512x16x128xf32, #tpu.memory_space<vmem>>, vector<1x16x128xf32>
    %get3A_762 = vector.shape_cast %get3A_761 : vector<1x16x128xf32> to vector<16x128xf32>
    %get3A_763 = arith.constant 1 : index
    %get3A_764 = arith.constant 0 : index
    %get3A_765 = arith.constant 0 : index
    %get3A_766 = vector.load %arg6[%get3A_763, %get3A_764, %get3A_765] : memref<512x16x128xf32, #tpu.memory_space<vmem>>, vector<1x16x128xf32>
    %get3A_767 = vector.shape_cast %get3A_766 : vector<1x16x128xf32> to vector<16x128xf32>
    %get3A_768 = arith.constant 2 : index
    %get3A_769 = arith.constant 0 : index
    %get3A_770 = arith.constant 0 : index
    %get3A_771 = vector.load %arg6[%get3A_768, %get3A_769, %get3A_770] : memref<512x16x128xf32, #tpu.memory_space<vmem>>, vector<1x16x128xf32>
    %get3A_772 = vector.shape_cast %get3A_771 : vector<1x16x128xf32> to vector<16x128xf32>
    %add3A_773 = arith.addf %get3A_767, %get3A_772 : vector<16x128xf32>
    %convert_element_type3A_774 = arith.truncf %get3A_762 : vector<16x128xf32> to vector<16x128xbf16>
    %convert_element_type3A_775 = arith.truncf %add3A_773 : vector<16x128xf32> to vector<16x128xbf16>
    %dot_general3A_776 = arith.constant dense<0.000000e+00> : vector<16x384xf32>
    %dot_general3A_777 = tpu.matmul %convert_element_type3A_774, %convert_element_type3A, %dot_general3A_776 {dimension_numbers = #tpu.dot_dimension_numbers<[1], [0], [0], [1], [0, 0, 1, 1], [], []>, transpose_lhs_hint = false} : vector<16x128xbf16>, vector<128x384xbf16>, vector<16x384xf32> -> vector<16x384xf32>
    %dot_general3A_778 = arith.constant dense<0.000000e+00> : vector<16x384xf32>
    %dot_general3A_779 = tpu.matmul %convert_element_type3A_775, %convert_element_type3A_5, %dot_general3A_778 {dimension_numbers = #tpu.dot_dimension_numbers<[1], [0], [0], [1], [0, 0, 1, 1], [], []>, transpose_lhs_hint = false} : vector<16x128xbf16>, vector<128x384xbf16>, vector<16x384xf32> -> vector<16x384xf32>
    %add3A_780 = arith.addf %dot_general3A_777, %dot_general3A_779 : vector<16x384xf32>
    %add3A_781 = vector.broadcast %get3A_16 : vector<1x384xf32> to vector<16x384xf32>
    %add3A_782 = arith.addf %add3A_780, %add3A_781 : vector<16x384xf32>
    %dot_general3A_783 = arith.constant dense<0.000000e+00> : vector<16x128xf32>
    %dot_general3A_784 = tpu.matmul %convert_element_type3A_774, %convert_element_type3A_9, %dot_general3A_783 {dimension_numbers = #tpu.dot_dimension_numbers<[1], [0], [0], [1], [0, 0, 1, 1], [], []>, transpose_lhs_hint = false} : vector<16x128xbf16>, vector<128x128xbf16>, vector<16x128xf32> -> vector<16x128xf32>
    %dot_general3A_785 = arith.constant dense<0.000000e+00> : vector<16x128xf32>
    %dot_general3A_786 = tpu.matmul %convert_element_type3A_775, %convert_element_type3A_13, %dot_general3A_785 {dimension_numbers = #tpu.dot_dimension_numbers<[1], [0], [0], [1], [0, 0, 1, 1], [], []>, transpose_lhs_hint = false} : vector<16x128xbf16>, vector<128x128xbf16>, vector<16x128xf32> -> vector<16x128xf32>
    %add3A_787 = arith.addf %dot_general3A_784, %dot_general3A_786 : vector<16x128xf32>
    %add3A_788 = vector.broadcast %get3A_19 : vector<1x128xf32> to vector<16x128xf32>
    %add3A_789 = arith.addf %add3A_787, %add3A_788 : vector<16x128xf32>
    %get3A_790 = arith.constant 1 : index
    %get3A_791 = arith.constant 0 : index
    %get3A_792 = arith.constant 0 : index
    %get3A_793 = vector.load %arg7[%get3A_790, %get3A_791, %get3A_792] : memref<512x16x128xf32, #tpu.memory_space<vmem>>, vector<1x16x128xf32>
    %get3A_794 = vector.shape_cast %get3A_793 : vector<1x16x128xf32> to vector<16x128xf32>
    %get3A_795 = arith.constant 2 : index
    %get3A_796 = arith.constant 0 : index
    %get3A_797 = arith.constant 0 : index
    %get3A_798 = vector.load %arg7[%get3A_795, %get3A_796, %get3A_797] : memref<512x16x128xf32, #tpu.memory_space<vmem>>, vector<1x16x128xf32>
    %get3A_799 = vector.shape_cast %get3A_798 : vector<1x16x128xf32> to vector<16x128xf32>
    %add3A_800 = arith.addf %get3A_794, %get3A_799 : vector<16x128xf32>
    %slice3A_801 = vector.extract_strided_slice %add3A_782 {offsets = [0, 0], sizes = [16, 128], strides = [1, 1]} : vector<16x384xf32> to vector<16x128xf32>
    %mul3A_802 = arith.constant 5.000000e-01 : f32
    %mul3A_803 = vector.broadcast %mul3A_802 : f32 to vector<16x128xf32>
    %mul3A_804 = arith.mulf %mul3A_803, %slice3A_801 : vector<16x128xf32>
    %tanh3A_805 = math.tanh %mul3A_804 : vector<16x128xf32>
    %mul3A_806 = arith.constant 5.000000e-01 : f32
    %mul3A_807 = vector.broadcast %mul3A_806 : f32 to vector<16x128xf32>
    %mul3A_808 = arith.mulf %mul3A_807, %tanh3A_805 : vector<16x128xf32>
    %add3A_809 = arith.constant 5.000000e-01 : f32
    %add3A_810 = vector.broadcast %add3A_809 : f32 to vector<16x128xf32>
    %add3A_811 = arith.addf %mul3A_808, %add3A_810 : vector<16x128xf32>
    %slice3A_812 = vector.extract_strided_slice %add3A_782 {offsets = [0, 128], sizes = [16, 128], strides = [1, 1]} : vector<16x384xf32> to vector<16x128xf32>
    %mul3A_813 = arith.constant 5.000000e-01 : f32
    %mul3A_814 = vector.broadcast %mul3A_813 : f32 to vector<16x128xf32>
    %mul3A_815 = arith.mulf %mul3A_814, %slice3A_812 : vector<16x128xf32>
    %tanh3A_816 = math.tanh %mul3A_815 : vector<16x128xf32>
    %mul3A_817 = arith.constant 5.000000e-01 : f32
    %mul3A_818 = vector.broadcast %mul3A_817 : f32 to vector<16x128xf32>
    %mul3A_819 = arith.mulf %mul3A_818, %tanh3A_816 : vector<16x128xf32>
    %add3A_820 = arith.constant 5.000000e-01 : f32
    %add3A_821 = vector.broadcast %add3A_820 : f32 to vector<16x128xf32>
    %add3A_822 = arith.addf %mul3A_819, %add3A_821 : vector<16x128xf32>
    %slice3A_823 = vector.extract_strided_slice %add3A_782 {offsets = [0, 256], sizes = [16, 128], strides = [1, 1]} : vector<16x384xf32> to vector<16x128xf32>
    %tanh3A_824 = math.tanh %slice3A_823 : vector<16x128xf32>
    %mul3A_825 = arith.constant 5.000000e-01 : f32
    %mul3A_826 = vector.broadcast %mul3A_825 : f32 to vector<16x128xf32>
    %mul3A_827 = arith.mulf %mul3A_826, %add3A_789 : vector<16x128xf32>
    %tanh3A_828 = math.tanh %mul3A_827 : vector<16x128xf32>
    %mul3A_829 = arith.constant 5.000000e-01 : f32
    %mul3A_830 = vector.broadcast %mul3A_829 : f32 to vector<16x128xf32>
    %mul3A_831 = arith.mulf %mul3A_830, %tanh3A_828 : vector<16x128xf32>
    %add3A_832 = arith.constant 5.000000e-01 : f32
    %add3A_833 = vector.broadcast %add3A_832 : f32 to vector<16x128xf32>
    %add3A_834 = arith.addf %mul3A_831, %add3A_833 : vector<16x128xf32>
    %mul3A_835 = arith.mulf %add3A_811, %tanh3A_824 : vector<16x128xf32>
    %mul3A_836 = arith.mulf %add3A_834, %add3A_800 : vector<16x128xf32>
    %add3A_837 = arith.addf %mul3A_835, %mul3A_836 : vector<16x128xf32>
    %tanh3A_838 = math.tanh %add3A_837 : vector<16x128xf32>
    %mul3A_839 = arith.mulf %add3A_822, %tanh3A_838 : vector<16x128xf32>
    %swap3A_840 = arith.constant 0 : index
    %swap3A_841 = arith.constant 0 : index
    %swap3A_842 = vector.load %arg5[%swap3A_840, %swap3A_841] : memref<16x128xf32, #tpu.memory_space<vmem>>, vector<16x128xf32>
    tpu.vector_store %arg5[%swap3A_840, %swap3A_841], %mul3A_839 {strides = array<i32>} : memref<16x128xf32, #tpu.memory_space<vmem>>, vector<16x128xf32>,
    return
  }
}

</mosaic_0001>

<sc_bundles>
// kernel: kernel.4.cloned.1.call-start
scs
__scs_entry_jumppad:
0x0: {  	(pc) =	sbr.rel $0x88, $3  }
0x1: {  	(tag) =	ssettag $0x0;
	lr =	simm.s32 $0x1  }
0x2: {  	[smem:$0x3F9B] =	sst lr;
	_ =	strace $0xD0000000  }
0x3: {  	_ = 	snop  }
0x4: {  	_ = 	snop  }
0x5: {  	_ = 	snop  }
0x6: {  	_ = 	snop  }
0x7: {  	_ = 	snop  }
__scs_overlays_trampoline_lowered:
0x8: {  	[smem:$0x3FAA] =	sst s0  }
0x9: {  	[smem:$0x3FAB] =	sst s1  }
0xa: {  	[smem:$0x3FAC] =	sst s2  }
0xb: {  	[smem:$0x3FAD] =	sst s3  }
0xc: {  	[smem:$0x3FAE] =	sst s4  }
0xd: {  	[smem:$0x3FAF] =	sst s5  }
0xe: {  	[smem:$0x3FB0] =	sst s6  }
0xf: {  	[smem:$0x3FB1] =	sst s7  }
0x10: {  	[smem:$0x3FB2] =	sst s8  }
0x11: {  	[smem:$0x3FB3] =	sst s9;
	s0 =	simm.s32 @!p0 $0x0  }
0x12: {  	s1 =	sld [smem:$0x3F99];
	s0 =	simm.s32 @p0 $0x1  }
0x13: {  	[smem:$0x3FB4] =	sst s0;
	s0 =	simm.s32 @!p1 $0x0  }
0x14: {  	s2 =	sld [smem:$0x3F98];
	s0 =	simm.s32 @p1 $0x1  }
0x15: {  	[smem:$0x3FB5] =	sst s0;
	s0 =	simm.s32 @!p2 $0x0  }
0x16: {  	s3 =	sld [smem:$0x3FDB];
	s0 =	simm.s32 @p2 $0x1  }
0x17: {  	s4 =	simm.s32 $0x1BF5;
	[smem:$0x3FB7] =	sst s0  }
0x18: {  	s0 =	sld [smem:$0x3F9A];
	_ =	swait.ge [sflag:s4], $0x0  }
0x19: {  	s7 =	sld [smem:$0x3F9B]  }
0x1a: {  	s8 =	sadd.s32 $0xFFFFE003, lr  }
0x1b: {  	s9 =	sadd.s32 $0xFFFFFEF7, lr;
	s5 =	simm.s32 $0xFFFFFFFF;
	p2 =	slt.u32 s8, $0xFFFFF086  }
0x1c: {  	p1 =	slt.u32 s9, $0xF7A;
	s5 =	simm.s32 @!p2 $0x0  }
0x1d: {  	s5 =	simm.s32 @p1 $0x1;
	p0 =	seq.s32 s7, s2  }
0x1e: {  	s7 =	smul.u32 @!p0 $0xF7A, s2;
	p2 =	seq.s32 @!p0 s5, $0x0  }
0x1f: {  	s9 =	smul.u32 $0xF7A, s1;
	s8 =	simm.s32 @!p0 $0x1BF5;
	p2 =	por !p2, p0  }
0x20: {  	[sflag:s8] =	ssyncset.s32 @!p0 $0xFFFFF086;
	s6 =	sadd.s32 @!p0 s3, s7;
	s7 =	simm.s32 @!p0 $0x108  }
0x21: {  	s3 =	sadd.s32 s3, s9;
	s6 =	sadd.s32 @!p0 $0x88, s6;
	s7 =	simm.s32 @p2 $0x1082  }
0x22: {  	[simem:s7], [sflag:s8] =	dma.local @!p0 [hbm:s6], $0xF7A  }
0x23: {  	s9 =	sor.u32 $0xD0000000, s2;
	s6 =	simm.s32 $0x108;
	_ =	swait.ge @!p0 [sflag:s8], $0x0  }
0x24: {  	s3 =	sadd.s32 $0x88, s3;
	s6 =	simm.s32 @!p1 $0x1082;
	[sflag:s4] =	ssyncset.s32 $0xFFFFF086  }
0x25: {  	[simem:s6], [sflag:s4] =	dma.local [hbm:s3], $0xF7A  }
0x26: {  	[smem:$0x3F9B] =	sst s1;
	(tag) =	ssettag s2;
	_ =	strace s9  }
0x27: {  	s1 =	sld [smem:$0x3FAB]  }
0x28: {  	s2 =	sld [smem:$0x3FAC]  }
0x29: {  	s4 =	sld [smem:$0x3FAE]  }
0x2a: {  	p0 =	seq.s32 s5, $0x0;
	s5 =	sld [smem:$0x3FAF]  }
0x2b: {  	s6 =	sld [smem:$0x3FB0]  }
0x2c: {  	s7 =	sld [smem:$0x3FB1]  }
0x2d: {  	s3 =	simm.s32 $0x108;
	s8 =	sld [smem:$0x3FB2]  }
0x2e: {  	s3 =	simm.s32 @!p0 $0x1082;
	s9 =	sld [smem:$0x3FB3]  }
0x2f: {  	lr =	sadd.s32 s0, s3;
	s0 =	sld [smem:$0x3FAA]  }
0x30: {  	s3 =	sld [smem:$0x3FAD]  }
0x31: {  	[smem:$0x3FB6] =	sst s10  }
0x32: {  	s10 =	sld [smem:$0x3FB4];
	_ =	sdelay $0x3  }
0x33: {  	p0 =	seq.s32 s10, $0x1;
	s10 =	sld [smem:$0x3FB6];
	_ =	sdelay $0x3  }
0x34: {  	[smem:$0x3FB6] =	sst s10  }
0x35: {  	s10 =	sld [smem:$0x3FB5];
	_ =	sdelay $0x3  }
0x36: {  	p1 =	seq.s32 s10, $0x1;
	s10 =	sld [smem:$0x3FB6];
	_ =	sdelay $0x3  }
0x37: {  	[smem:$0x3FB6] =	sst s10  }
0x38: {  	s10 =	sld [smem:$0x3FB7]  }
0x39: {  	_ = 	snop;
	(pc) =	sbr.ind lr, $3  }
0x3a: {  	_ = 	snop  }
0x3b: {  	_ = 	snop  }
0x3c: {  	p2 =	seq.s32 s10, $0x1;
	s10 =	sld [smem:$0x3FB6]  }
0x3d: {  	_ =	shalt  }
0x3e: {  	_ =	shalt  }
0x3f: {  	_ =	shalt  }
0x40: {  	_ =	shalt  }
0x41: {  	_ =	shalt  }
0x42: {  	_ =	shalt  }
0x43: {  	_ =	shalt  }
0x44: {  	_ =	shalt  }
0x45: {  	_ =	shalt  }
0x46: {  	_ =	shalt  }
0x47: {  	_ =	shalt  }
0x48: {  	_ =	shalt  }
0x49: {  	_ =	shalt  }
0x4a: {  	_ =	shalt  }
0x4b: {  	_ =	shalt  }
0x4c: {  	_ =	shalt  }
0x4d: {  	_ =	shalt  }
0x4e: {  	_ =	shalt  }
0x4f: {  	_ =	shalt  }
0x50: {  	_ =	shalt  }
0x51: {  	_ =	shalt  }
0x52: {  	_ =	shalt  }
0x53: {  	_ =	shalt  }
0x54: {  	_ =	shalt  }
0x55: {  	_ =	shalt  }
0x56: {  	_ =	shalt  }
0x57: {  	_ =	shalt  }
0x58: {  	_ =	shalt  }
0x59: {  	_ =	shalt  }
0x5a: {  	_ =	shalt  }
0x5b: {  	_ =	shalt  }
0x5c: {  	_ =	shalt  }
0x5d: {  	_ =	shalt  }
0x5e: {  	_ =	shalt  }
0x5f: {  	_ =	shalt  }
0x60: {  	_ =	shalt  }
0x61: {  	_ =	shalt  }
0x62: {  	_ =	shalt  }
0x63: {  	_ =	shalt  }
0x64: {  	_ =	shalt  }
0x65: {  	_ =	shalt  }
0x66: {  	_ =	shalt  }
0x67: {  	_ =	shalt  }
0x68: {  	_ =	shalt  }
0x69: {  	_ =	shalt  }
0x6a: {  	_ =	shalt  }
0x6b: {  	_ =	shalt  }
0x6c: {  	_ =	shalt  }
0x6d: {  	_ =	shalt  }
0x6e: {  	_ =	shalt  }
0x6f: {  	_ =	shalt  }
0x70: {  	_ =	shalt  }
0x71: {  	_ =	shalt  }
0x72: {  	_ =	shalt  }
0x73: {  	_ =	shalt  }
0x74: {  	_ =	shalt  }
0x75: {  	_ =	shalt  }
0x76: {  	_ =	shalt  }
0x77: {  	_ =	shalt  }
0x78: {  	_ =	shalt  }
0x79: {  	_ =	shalt  }
0x7a: {  	_ =	shalt  }
0x7b: {  	_ =	shalt  }
0x7c: {  	_ =	shalt  }
0x7d: {  	_ =	shalt  }
0x7e: {  	_ =	shalt  }
0x7f: {  	_ =	shalt  }
0x80: {  	_ =	shalt  }
0x81: {  	_ =	shalt  }
0x82: {  	_ =	shalt  }
0x83: {  	_ =	shalt  }
0x84: {  	_ =	shalt  }
0x85: {  	_ =	shalt  }
0x86: {  	_ =	shalt  }
0x87: {  	_ =	shalt  }
.Lfunc_end0:
.L_simem_size_0:
called_computation_lowered:
.L_overlay_start_0:
0x88: {  	s2 =	sld [smem:$0x3FD9]  }
0x89: {  	s3 =	sld [smem:$0x3FFE];
	_ =	sdelay $0x1  }
0x8a: {  	s1 =	srdreg.scid  }
0x8b: {  	s0 =	sand.u32 $0x1, s1  }
0x8c: {  	s17 =	sshll.u32 s0, $0xA;
	s2 =	sadd.s32 s3, s2  }
0x8d: {  	s2 =	sadd.s32 s2, s17  }
0x8e: {  	[smem:$0x3FC2] =	sst s2  }
0x8f: {  	_ = 	snop  }
0x90: {  	s2 =	sld [smem:$0x3FC8];
	(tm) =	ssettm $0x1  }
0x91: {  	s18 =	sld [smem:$0x3FFB];
	_ =	sdelay $0x3  }
0x92: {  	_ =	strace s18  }
0x93: {  	s3 =	sld [smem:$0x3FFC];
	_ =	sdelay $0x3  }
0x94: {  	_ =	strace s3  }
0x95: {  	s3 =	sld [smem:$0x3FFD];
	_ =	sdelay $0x3  }
0x96: {  	_ =	strace s3  }
0x97: {  	_ =	strace $0x8FFFFFFF  }
0x98: {  	s19 =	sld [smem:$0x3FDB];
	_ =	sdelay $0x1  }
0x99: {  	s4 =	simm.s32 $_scs_section_size  }
0x9a: {  	s5 =	simm.s32 $_size__tile_overlayer_lowered;
	s6 =	simm.s32 $_tile_overlayer_lowered  }
0x9b: {  	s22 =	simm.s32 $0x1BFF;
	s21 =	sshll.u32 s6, $0x1;
	s3 =	sadd.s32 s4, s19  }
0x9c: {  	s7 =	simm.s32 $0x0;
	s20 =	sshll.u32 s5, $0x1;
	s5 =	sadd.s32 s21, s3  }
0x9d: {  	[timem:s7], [sflag:s22] =	dma.local [hbm:s5], s20  }
0x9e: {  	_ =	swait.ge [sflag:s22], s20  }
0x9f: {  	s4 =	ssub.s32 $0x0, s20;
	[sflag:s22] =	ssyncset.done $0x0  }
0xa0: {  	[sflag:s22] =	ssyncadd.s32 s4;
	_ =	sdelay $0x1  }
0xa1: {  	s23 =	simm.s32 $0x1B8B  }
0xa2: {  	_ =	swait.ge [sflag:s23], $0x1  }
0xa3: {  	[sflag:s23] =	ssyncset.done $0x0  }
0xa4: {  	s25 =	simm.s32 $0x1B8E;
	s24 =	sld [smem:$0x3FFE];
	[sflag:s23] =	ssyncadd.s32 $0xFFFFFFFF  }
0xa5: {  	s26 =	simm.s32 $execute0_lowered;
	[smem:$0x3FD2] =	sst s25  }
0xa6: {  	s5 =	sshll.u32 s26, $0x1;
	_ =	strace $0x80000046;
	[dreg:$0x1] =	wrdreg $0xFFFFFFFF  }
0xa7: {  	s28 =	simm.s32 $_size_execute0_lowered;
	s3 =	sadd.s32 s3, s5;
	[dreg:$0x0] =	wrdreg $0x0  }
0xa8: {  	s5 =	sshll.u32 s28, $0x1;
	[dreg:$0x2] =	wrdreg s3  }
0xa9: {  	[dreg:$0x3] =	wrdreg s5  }
0xaa: {  	[dreg:$0x4] =	wrdreg $0xC0  }
0xab: {  	_ =	task [dreg:s7], $0x5FFFF  }
0xac: {  	[dreg:$0x1] =	wrdreg $0xFFFFFFFF  }
0xad: {  	[dreg:$0x0] =	wrdreg $0x60  }
0xae: {  	[dreg:$0x2] =	wrdreg s2  }
0xaf: {  	[dreg:$0x3] =	wrdreg s24  }
0xb0: {  	[dreg:$0x4] =	wrdreg $0x9  }
0xb1: {  	_ =	task.clear_ibuf [dreg:s7], $0x5FFFF;
	_ =	strace $0x90000046  }
0xb2: {  	s29 =	simm.s32 $0x9;
	_ =	strace $0x80000048  }
0xb3: {  	_ =	swait.ge [sflag:s29], $0x1  }
0xb4: {  	[sflag:s29] =	ssyncadd.s32 $0xFFFFFFFF  }
0xb5: {  	_ =	strace $0x90000048  }
0xb6: {  	_ =	sfence  }
0xb7: {  	s30 =	sld [smem:$0x0];
	_ =	sdelay $0x2  }
0xb8: {  	s31 =	sshll.u32 s1, $0xD;
	s1 =	sshrl.u32 s1, $0x2  }
0xb9: {  	s3 =	sand.u32 $0x4000, s31;
	s1 =	sadd.s32 s1, s30  }
0xba: {  	s0 =	sor.u32 s3, s0;
	s1 =	sshll.u32 s1, $0x11  }
0xbb: {  	s0 =	sor.u32 s1, s0  }
0xbc: {  	s0 =	sadd.s32 $0x8F2B, s0  }
0xbd: {  	[sflag:s0] =	ssyncadd.remote.s32 $0x1  }
0xbe: {  	_ =	sfence.sel $0xFFFF  }
0xbf: {  	[dreg:$0x0] =	wrdreg $0xFFFFFFFF;
	(pc) =	sbr.abs _section_cstart, $3  }
0xc0: {  	[dreg:$0x1] =	wrdreg $0xFFFFFFFF  }
0xc1: {  	_ =	task.clear_ibuf [dreg:s7], $0x2FFFF;
	_ =	strace $0x9FFFFFFF  }
0xc2: {  	(tm) =	ssettm $0x7FFFFFFF  }
0xc3: {  	_ =	shalt  }
tec
execute0_lowered:
.L_overlay_start_1:
0x0: {  	(tag) =	ssettag $0x1  }
0x1: {  	s1 =	srdreg.scid  }
0x2: {  	s0 =	stileid.u32;
	s10 =	sand.u32 $0x1, s1  }
0x3: {  	s2 =	rddreg [dreg:$0x0];
	s29 =	sshll.u32 s0, $0x9;
	s3 =	sshll.u32 s10, $0x8  }
0x4: {  	s11 =	rddreg [dreg:$0x1];
	s12 =	sor.u32 s3, s29  }
0x5: {  	s1 =	rddreg [dreg:$0x2];
	s3 =	simm.s32 $0x0;
	s4 =	sshrl.u32 s12, $0x3  }
0x6: {  	[smem:$0x7FF] =	sst s3;
	s4 =	sadd.s32 s4, s11  }
0x7: {  	_ =	strace $0x80000047;
	s5 =	sadd.s32 $0xE00, s4;
	s4 =	simm.s32 $0x2  }
0x8: {  	[tilespmem:s3], [sflag:$0x2] =	stream.linear.gather [hbm4b:s5+s3], $0x100, $0x38;
	[tilespmem:$0x8100] =	vst v63  }
0x9: {  	_ =	swait.ge [sflag:s4], $0x100  }
0xa: {  	[sflag:s4] =	ssyncset.done $0x0  }
0xb: {  	s6 =	simm.s32 $0x80;
	s7 =	simm.s32 $0x100;
	[sflag:s4] =	ssyncadd.s32 $0xFFFFFF00  }
0xc: {  	[tilespmem:s7], [sflag:$0x1] =	stream.indirect.gather [hbm4b:s2+s6], $0x80, s3, s6, $0xb8;
	[tilespmem:$0x8100] =	vst v63  }
0xd: {  	s8 =	simm.s32 $0x4100;
	s9 =	simm.s32 $0x1;
	s10 =	ssub.s32 $0x2, s10  }
0xe: {  	[tilespmem:s8], [sflag:$0x1] =	stream.indirect.gather [hbm4b:s2+s6], $0x80, s6, s6, $0xb8;
	[tilespmem:$0x8100] =	vst v63  }
0xf: {  	s13 =	sshrl.u32 s10, $0x1;
	_ =	swait.ge [sflag:s9], $0x4000  }
0x10: {  	s30 =	ssub.s32 s10, s13;
	[sflag:s9] =	ssyncset.done $0x0  }
0x11: {  	s31 =	smax.u32 s30, $0x1;
	[sflag:s9] =	ssyncadd.s32 $0xFFFFC000  }
0x12: {  	s12 =	sshll.u32 s12, $0x4;
	p0 =	sne.s32 s31, $0x1;
	_ =	swait.ge [sflag:s9], $0x4000  }
.Ltmp0:
0x13: {  	s11 =	sadd.s32 s12, s11;
	[sflag:s9] =	ssyncset.done $0x0;
	(pc) =	sbr.rel @!p0 .LBB2_2-.Ltmp0, $4  }
0x14: {  	s10 =	sadd.s32 $0x1200, s11;
	[sflag:s9] =	ssyncadd.s32 $0xFFFFC000  }
0x15: {  	[hbm4b:s10+s3] =	stream.linear.scatter [tilespmem:s7], [sflag:$0x2], $0x8000, $0x38;
	[tilespmem:$0x8100] =	vst v63  }
0x16: {  	_ =	swait.ge [sflag:s4], $0x8000  }
0x17: {  	s11 =	sadd.s32 $0xFFFFFFFF, s31;
	[sflag:s4] =	ssyncset.done $0x0  }
.LBB2_1:
0x18: {  	p0 =	sne.s32 s11, $0x1;
	s11 =	sadd.s32 $0xFFFFFFFF, s11;
	[sflag:s4] =	ssyncadd.s32 $0xFFFF8000  }
0x19: {  	[tilespmem:s3], [sflag:$0x2] =	stream.linear.gather [hbm4b:s5+s3], $0x100, $0x38;
	[tilespmem:$0x8100] =	vst v63  }
0x1a: {  	_ =	swait.ge [sflag:s4], $0x100  }
0x1b: {  	[sflag:s4] =	ssyncset.done $0x0  }
0x1c: {  	[sflag:s4] =	ssyncadd.s32 $0xFFFFFF00  }
0x1d: {  	[tilespmem:s7], [sflag:$0x1] =	stream.indirect.gather [hbm4b:s2+s6], $0x80, s3, s6, $0xb8;
	[tilespmem:$0x8100] =	vst v63  }
0x1e: {  	_ = 	snop  }
0x1f: {  	[tilespmem:s8], [sflag:$0x1] =	stream.indirect.gather [hbm4b:s2+s6], $0x80, s6, s6, $0xb8;
	[tilespmem:$0x8100] =	vst v63  }
0x20: {  	_ =	swait.ge [sflag:s9], $0x4000  }
0x21: {  	[sflag:s9] =	ssyncset.done $0x0  }
0x22: {  	[sflag:s9] =	ssyncadd.s32 $0xFFFFC000  }
0x23: {  	_ =	swait.ge [sflag:s9], $0x4000  }
.Ltmp1:
0x24: {  	[sflag:s9] =	ssyncset.done $0x0;
	(pc) =	sbr.rel @p0 .LBB2_1-.Ltmp1, $4  }
0x25: {  	[sflag:s9] =	ssyncadd.s32 $0xFFFFC000  }
0x26: {  	[hbm4b:s10+s3] =	stream.linear.scatter [tilespmem:s7], [sflag:$0x2], $0x8000, $0x38;
	[tilespmem:$0x8100] =	vst v63  }
0x27: {  	_ =	swait.ge [sflag:s4], $0x8000  }
0x28: {  	[sflag:s4] =	ssyncset.done $0x0  }
.LBB2_2:
0x29: {  	[sflag:s4] =	ssyncadd.s32 $0xFFFF8000  }
0x2a: {  	_ =	sfence.sel $0x180000  }
0x2b: {  	[bflag:$0x0] =	sbarrier.arrive $0xFFFF  }
0x2c: {  	p0 =	sne.s32 s0, $0x0;
	_ =	strace $0x90000047  }
0x2d: {  	s0 =	sadd.s32 @!p0 $0x100000, s1;
	[bflag:$0x2] =	sbarrier.arrive $0xFFFF  }
0x2e: {  	[sflag:s0] =	ssyncadd.tile.s32 @!p0 $0x1;
	_ =	shalt  }
.Lfunc_end2:
_tile_overlayer_lowered:
.L_overlay_start_2:
0x2f: {  	(tag) =	ssettag $0x2  }
0x30: {  	s0 =	rddreg [dreg:$0x0];
	s2 =	stileid.u32  }
0x31: {  	s1 =	rddreg [dreg:$0x1];
	p0 =	sne.s32 s2, $0x0  }
0x32: {  	s3 =	rddreg [dreg:$0x2];
	[bflag:$0x3] =	sbarrier.arrive $0xFFFF;
	s2 =	simm.s32 @!p0 $0x1C02  }
0x33: {  	[timem:s3], [sflag:s2] =	dma.local @!p0 [hbm:s0], s1  }
0x34: {  	s0 =	simm.s32 @!p0 $0x2  }
0x35: {  	_ =	swait.ge @!p0 [sflag:s0], s1  }
0x36: {  	s1 =	ssub.s32 @!p0 $0x0, s1;
	[sflag:s0] =	ssyncset.done @!p0 $0x0  }
0x37: {  	[sflag:s0] =	ssyncadd.s32 @!p0 s1  }
0x38: {  	[bflag:$0x3] =	sbarrier.arrive $0xFFFF  }
0x39: {  	_ =	shalt  }

</sc_bundles>
